<compile_context>
chip_gen: v7x
topology: tpu7x:2x2x1
jax: 0.10.2.dev20260603
libtpu: 0.0.44.dev20260713+nightly
codegen_flags: <defaults>
</compile_context>

<pallas_src>
import functools

import jax
import jax.numpy as jnp
from jax import lax
from jax.experimental import pallas as pl
from jax.experimental.pallas import tpu as pltpu
from jax.experimental.pallas import tpu_sc as plsc

N_NODES = 10000
N_EDGES = 320000
FEAT = 128

NC = 2
NS = 16
CHUNK = 128
N_CHUNKS = N_EDGES // CHUNK
CHUNKS_PER_CORE = N_CHUNKS // NC
BASE_CHUNKS = CHUNKS_PER_CORE // NS
ITERS = BASE_CHUNKS + 1
IDX_LEN = ITERS * CHUNK
N_PAD = 10112
ROWS_PER_SUB = N_PAD // NS
DEG_PAD = 10240
DEG_PER_SUB = DEG_PAD // NS

ROW_BLK = 1000
GRID = N_NODES // ROW_BLK


def _linear_scale(x, W, b, degp):

    def body(x_ref, w_ref, b_ref, dp_ref, g_ref, nd_ref):
        h = lax.dot_general(
            x_ref[...], w_ref[...], (((1,), (1,)), ((), ())),
            preferred_element_type=jnp.float32) + b_ref[...]
        deg = dp_ref[0] + dp_ref[1]
        nd = jnp.where(deg > 0, lax.rsqrt(deg), jnp.zeros_like(deg))
        nd_ref[...] = nd
        g_ref[...] = h * nd

    return pl.pallas_call(
        body,
        grid=(GRID,),
        in_specs=[pl.BlockSpec((ROW_BLK, FEAT), lambda i: (i, 0)),
                  pl.BlockSpec((FEAT, FEAT), lambda i: (0, 0)),
                  pl.BlockSpec((1, FEAT), lambda i: (0, 0)),
                  pl.BlockSpec((NC, ROW_BLK, 1), lambda i: (0, i, 0))],
        out_specs=[pl.BlockSpec((ROW_BLK, FEAT), lambda i: (i, 0)),
                   pl.BlockSpec((ROW_BLK, 1), lambda i: (i, 0))],
        out_shape=[jax.ShapeDtypeStruct((N_NODES, FEAT), jnp.float32),
                   jax.ShapeDtypeStruct((N_NODES, 1), jnp.float32)],
    )(x, W, b.reshape(1, FEAT), degp.reshape(NC, DEG_PAD, 1))


def _worker_range(core, sid):
    start = core * CHUNKS_PER_CORE + sid * BASE_CHUNKS + jnp.minimum(sid, NC)
    return start


def _fill(ref, offset, length, value):
    vec = jnp.full((16,), value, ref.dtype)

    @pl.loop(0, length // 16)
    def _(t):
        ref[pl.ds(offset + t * 16, 16)] = vec


def _degree(r):
    mesh = plsc.VectorSubcoreMesh(core_axis_name="c", subcore_axis_name="s")

    @functools.partial(
        pl.kernel,
        out_type=jax.ShapeDtypeStruct((NC, DEG_PAD), jnp.float32),
        mesh=mesh,
        scratch_types=[
            pltpu.VMEM_SHARED((DEG_PAD,), jnp.float32),
            pltpu.VMEM((IDX_LEN,), jnp.int32),
            pltpu.VMEM((CHUNK,), jnp.float32),
            pltpu.VMEM((640,), jnp.float32),
            pltpu.SemaphoreType.DMA,
            pltpu.SemaphoreType.DMA,
        ],
    )
    def k(r_hbm, deg_hbm, deg_sh, ridx_v, ones_v, zbuf_v, semi, sem):
        core = lax.axis_index("c")
        sid = lax.axis_index("s")
        start = _worker_range(core, sid)

        pltpu.async_copy(r_hbm.at[pl.ds(start * CHUNK, BASE_CHUNKS * CHUNK)],
                         ridx_v.at[pl.ds(0, BASE_CHUNKS * CHUNK)], semi)

        _fill(zbuf_v, 0, DEG_PER_SUB, 0.0)
        _fill(ones_v, 0, CHUNK, 1.0)
        sl = pl.ds(sid * DEG_PER_SUB, DEG_PER_SUB)
        pltpu.sync_copy(zbuf_v, deg_sh.at[sl])

        @pl.when(sid < NC)
        def _():
            pltpu.sync_copy(
                r_hbm.at[pl.ds((start + BASE_CHUNKS) * CHUNK, CHUNK)],
                ridx_v.at[pl.ds(BASE_CHUNKS * CHUNK, CHUNK)])

        @pl.when(sid >= NC)
        def _():
            _fill(ridx_v, BASE_CHUNKS * CHUNK, CHUNK, N_NODES + sid)

        pltpu.make_async_copy(
            r_hbm.at[pl.ds(0, BASE_CHUNKS * CHUNK)],
            ridx_v.at[pl.ds(0, BASE_CHUNKS * CHUNK)], semi).wait()
        plsc.subcore_barrier()

        @pl.loop(0, ITERS)
        def _(j):
            pltpu.async_copy(ones_v, deg_sh.at[ridx_v.at[pl.ds(j * CHUNK, CHUNK)]],
                             sem, add=True)

        @pl.loop(0, ITERS)
        def _(j):
            pltpu.make_async_copy(
                ones_v, deg_sh.at[ridx_v.at[pl.ds(0, CHUNK)]], sem).wait()

        plsc.subcore_barrier()
        pltpu.sync_copy(deg_sh.at[sl], deg_hbm.at[core, sl])

    return k(r)




NSLOT = 3
RING_ITERS = BASE_CHUNKS // NSLOT


def _aggregate(g, r, c):
    mesh = plsc.VectorSubcoreMesh(core_axis_name="c", subcore_axis_name="s")

    @functools.partial(
        pl.kernel,
        out_type=jax.ShapeDtypeStruct((NC, N_PAD, FEAT), jnp.float32),
        mesh=mesh,
        scratch_types=[
            pltpu.VMEM_SHARED((N_PAD, FEAT), jnp.float32),
            [pltpu.VMEM((CHUNK,), jnp.int32)] * NSLOT,
            [pltpu.VMEM((CHUNK,), jnp.int32)] * NSLOT,
            [pltpu.VMEM((CHUNK, FEAT), jnp.float32)] * NSLOT,
            [pltpu.SemaphoreType.DMA] * NSLOT,
            [pltpu.SemaphoreType.DMA] * NSLOT,
            [pltpu.SemaphoreType.DMA] * NSLOT,
            [pltpu.SemaphoreType.DMA] * NSLOT,
        ],
    )
    def k(g_hbm, r_hbm, c_hbm, out_hbm, acc_sh, cidx, ridx, rows,
          semg, sems, semc, semr):
        core = lax.axis_index("c")
        sid = lax.axis_index("s")
        start = core * CHUNKS_PER_CORE + sid * BASE_CHUNKS

        @pl.loop(0, CHUNK)
        def _(i):
            @pl.loop(0, FEAT // 16)
            def _(t):
                rows[0][i, pl.ds(t * 16, 16)] = jnp.zeros((16,), jnp.float32)

        @pl.loop(0, ROWS_PER_SUB // CHUNK)
        def _(z):
            pltpu.async_copy(
                rows[0],
                acc_sh.at[pl.ds(sid * ROWS_PER_SUB + z * CHUNK, CHUNK)],
                semg[0])

        pltpu.async_copy(
            rows[0].at[pl.ds(0, ROWS_PER_SUB % CHUNK)],
            acc_sh.at[pl.ds(sid * ROWS_PER_SUB + ROWS_PER_SUB - ROWS_PER_SUB % CHUNK,
                            ROWS_PER_SUB % CHUNK)],
            semg[0])

        @pl.loop(0, ROWS_PER_SUB // CHUNK)
        def _(z):
            pltpu.make_async_copy(
                rows[0],
                acc_sh.at[pl.ds(sid * ROWS_PER_SUB, CHUNK)], semg[0]).wait()

        pltpu.make_async_copy(
            rows[0].at[pl.ds(0, ROWS_PER_SUB % CHUNK)],
            acc_sh.at[pl.ds(sid * ROWS_PER_SUB, ROWS_PER_SUB % CHUNK)],
            semg[0]).wait()

        plsc.subcore_barrier()

        def cidx_start(j, x):
            pltpu.async_copy(c_hbm.at[pl.ds((start + j) * CHUNK, CHUNK)],
                             cidx[x], semc[x])

        def cidx_wait(x):
            pltpu.make_async_copy(c_hbm.at[pl.ds(0, CHUNK)],
                                  cidx[x], semc[x]).wait()

        def ridx_start(j, x):
            pltpu.async_copy(r_hbm.at[pl.ds((start + j) * CHUNK, CHUNK)],
                             ridx[x], semr[x])

        def ridx_wait(x):
            pltpu.make_async_copy(r_hbm.at[pl.ds(0, CHUNK)],
                                  ridx[x], semr[x]).wait()

        def gather_start(x):
            pltpu.async_copy(g_hbm.at[cidx[x]], rows[x], semg[x])

        def gather_wait(x):
            pltpu.make_async_copy(g_hbm.at[cidx[x]], rows[x], semg[x]).wait()

        def scatter_start(x):
            pltpu.async_copy(rows[x], acc_sh.at[ridx[x]], sems[x], add=True)

        def scatter_wait(x):
            pltpu.make_async_copy(rows[x], acc_sh.at[ridx[x]], sems[x]).wait()

        for x in range(NSLOT):
            cidx_start(x, x)
            ridx_start(x, x)
        for x in range(NSLOT):
            cidx_wait(x)
            gather_start(x)

        @pl.loop(0, RING_ITERS)
        def _(m):
            more = m + 1 < RING_ITERS
            for x in range(NSLOT):
                gather_wait(x)
                ridx_wait(x)
                scatter_start(x)

                @pl.when(more)
                def _():
                    cidx_start(NSLOT * (m + 1) + x, x)

            @pl.when(more)
            def _():
                for x in range(NSLOT):
                    scatter_wait(x)
                    cidx_wait(x)
                    gather_start(x)
                    ridx_start(NSLOT * (m + 1) + x, x)

        for x in range(NSLOT):
            scatter_wait(x)

        @pl.when(sid < NC)
        def _():
            tail = core * CHUNKS_PER_CORE + NS * BASE_CHUNKS + sid
            pltpu.sync_copy(c_hbm.at[pl.ds(tail * CHUNK, CHUNK)], cidx[0])
            pltpu.sync_copy(r_hbm.at[pl.ds(tail * CHUNK, CHUNK)], ridx[0])
            gather_start(0)
            gather_wait(0)
            pltpu.sync_copy(rows[0], acc_sh.at[ridx[0]], add=True)

        plsc.subcore_barrier()
        rsl = pl.ds(sid * ROWS_PER_SUB, ROWS_PER_SUB)
        pltpu.sync_copy(acc_sh.at[rsl], out_hbm.at[core, rsl])

    return k(g, r, c)


def _combine(outp, nd):
    def body(qp_ref, nd_ref, o_ref):
        o_ref[...] = (qp_ref[0] + qp_ref[1]) * nd_ref[...]

    return pl.pallas_call(
        body,
        grid=(GRID,),
        in_specs=[pl.BlockSpec((NC, ROW_BLK, FEAT), lambda i: (0, i, 0)),
                  pl.BlockSpec((ROW_BLK, 1), lambda i: (i, 0))],
        out_specs=pl.BlockSpec((ROW_BLK, FEAT), lambda i: (i, 0)),
        out_shape=jax.ShapeDtypeStruct((N_NODES, FEAT), jnp.float32),
    )(outp, nd)


def kernel(x, edge_index, W, b):
    r = edge_index[0]
    degp = _degree(r)
    g, nd = _linear_scale(x, W, b, degp)
    outp = _aggregate(g, r, edge_index[1])
    return _combine(outp, nd)

# --- scband reference (transcript-rebuilt; emitter-appended) ---
"""Pipeline reference for scband-my-gcnconv-72086731096478 (READ-ONLY COPY).

The authoritative reference and input builder live on the scoring server;
editing this copy changes nothing except your own understanding.
"""

import jax, jax.numpy as jnp
import numpy as np

N_NODES = 10000
N_EDGES = 320000
IN_C = 128
OUT_C = 128


def setup_inputs(seed: int = 0) -> dict:
    key = jax.random.key(seed)
    k1, k2, k3, k4 = jax.random.split(key, 4)
    x = jax.random.normal(k1, (N_NODES, IN_C), dtype=jnp.float32)
    edge_index = jax.random.randint(k2, (2, N_EDGES), 0, N_NODES, dtype=jnp.int32)
    # nn.Linear parameters: W [out, in], b [out], kaiming-uniform-ish init
    bound = 1.0 / np.sqrt(IN_C)
    W = jax.random.uniform(k3, (OUT_C, IN_C), dtype=jnp.float32, minval=-bound, maxval=bound)
    b = jax.random.uniform(k4, (OUT_C,), dtype=jnp.float32, minval=-bound, maxval=bound)
    return {"x": x, "edge_index": edge_index, "W": W, "b": b}


def reference(x, edge_index, W, b):
    # x = self.linear(x)
    h = x @ W.T + b
    r = edge_index[0]
    c = edge_index[1]
    n = h.shape[0]
    # node_degree via scatter_add of ones on destination index r
    deg = jax.ops.segment_sum(jnp.ones((r.shape[0],), dtype=h.dtype), r, num_segments=n)
    # rsqrt with inf -> 0 (isolated nodes)
    nd_rsqrt = jnp.where(deg > 0, jax.lax.rsqrt(deg), jnp.zeros_like(deg))
    # gather messages from source nodes c, normalize by source degree
    message = jnp.take(h, c, axis=0)
    message_norm = message * nd_rsqrt[c][:, None]
    # scatter-add messages to destination nodes r
    out = jax.ops.segment_sum(message_norm, r, num_segments=n)
    # normalize by destination degree
    out_norm = out * nd_rsqrt[:, None]
    return out_norm

if __name__ == "__main__":
    import jax
    _d = setup_inputs()
    print(jax.jit(kernel)(*tuple(_d.values())))

</pallas_src>

<mosaic_0001>
#map = affine_map<(d0, d1) -> (0, 0)>
#map1 = affine_map<(d0, d1) -> (0)>
#map2 = affine_map<(d0, d1) -> (0, 0, 0)>
module attributes {stable_mosaic.version = 14 : i64} {
  func.func @k(%arg0: i32, %arg1: i32, %arg2: memref<10000x128xf32, #tpu.memory_space<hbm>>, %arg3: memref<320000xi32, #tpu.memory_space<hbm>>, %arg4: memref<320000xi32, #tpu.memory_space<hbm>>, %arg5: memref<2x10112x128xf32, #tpu.memory_space<hbm>>, %arg6: memref<10112x128xf32, #tpu.memory_space<vmem_shared>>, %arg7: memref<128xi32, #tpu.memory_space<vmem>>, %arg8: memref<128xi32, #tpu.memory_space<vmem>>, %arg9: memref<128xi32, #tpu.memory_space<vmem>>, %arg10: memref<128xi32, #tpu.memory_space<vmem>>, %arg11: memref<128xi32, #tpu.memory_space<vmem>>, %arg12: memref<128xi32, #tpu.memory_space<vmem>>, %arg13: memref<128x128xf32, #tpu.memory_space<vmem>>, %arg14: memref<128x128xf32, #tpu.memory_space<vmem>>, %arg15: memref<128x128xf32, #tpu.memory_space<vmem>>, %arg16: memref<!tpu.dma_semaphore, #tpu.memory_space<semaphore_mem>>, %arg17: memref<!tpu.dma_semaphore, #tpu.memory_space<semaphore_mem>>, %arg18: memref<!tpu.dma_semaphore, #tpu.memory_space<semaphore_mem>>, %arg19: memref<!tpu.dma_semaphore, #tpu.memory_space<semaphore_mem>>, %arg20: memref<!tpu.dma_semaphore, #tpu.memory_space<semaphore_mem>>, %arg21: memref<!tpu.dma_semaphore, #tpu.memory_space<semaphore_mem>>, %arg22: memref<!tpu.dma_semaphore, #tpu.memory_space<semaphore_mem>>, %arg23: memref<!tpu.dma_semaphore, #tpu.memory_space<semaphore_mem>>, %arg24: memref<!tpu.dma_semaphore, #tpu.memory_space<semaphore_mem>>, %arg25: memref<!tpu.dma_semaphore, #tpu.memory_space<semaphore_mem>>, %arg26: memref<!tpu.dma_semaphore, #tpu.memory_space<semaphore_mem>>, %arg27: memref<!tpu.dma_semaphore, #tpu.memory_space<semaphore_mem>>) attributes {dimension_semantics = [#tpu.dimension_semantics<core_parallel>, #tpu.dimension_semantics<subcore_parallel>], iteration_bounds = array<i64: 2, 16>, scalar_prefetch = 0 : i64, scratch_operands = 22 : i64, tpu.core_type = #tpu.core_type<sc_vector_subcore>, window_params = [{transform_indices = #map}, {transform_indices = #map1}, {transform_indices = #map1}, {transform_indices = #map2}]} {
    %mul3A = arith.constant 1250 : i32
    %mul3A_0 = arith.muli %arg0, %mul3A : i32
    %mul3A_1 = arith.constant 78 : i32
    %mul3A_2 = arith.muli %arg1, %mul3A_1 : i32
    %add3A = arith.addi %mul3A_0, %mul3A_2 : i32
    %scan3A = arith.constant 0 : i32
    %scan3A_3 = arith.constant 128 : i32
    %scan3A_4 = arith.addi %scan3A, %scan3A_3 : i32
    %scan3A_5 = arith.constant 1 : i32
    scf.for %scan3A_118 = %scan3A to %scan3A_4 step %scan3A_5  : i32 {
      %mul3A_119 = arith.constant 1 : i32
      %mul3A_120 = arith.muli %scan3A_118, %mul3A_119 : i32
      %add3A_121 = arith.constant 0 : i32
      %add3A_122 = arith.addi %add3A_121, %mul3A_120 : i32
      %scan3A_123 = arith.constant 0 : i32
      %scan3A_124 = arith.constant 8 : i32
      %scan3A_125 = arith.addi %scan3A_123, %scan3A_124 : i32
      %scan3A_126 = arith.constant 1 : i32
      scf.for %scan3A_128 = %scan3A_123 to %scan3A_125 step %scan3A_126  : i32 {
        %mul3A_129 = arith.constant 1 : i32
        %mul3A_130 = arith.muli %scan3A_128, %mul3A_129 : i32
        %add3A_131 = arith.constant 0 : i32
        %add3A_132 = arith.addi %add3A_131, %mul3A_130 : i32
        %broadcast_in_dim3A = arith.constant 0.000000e+00 : f32
        %broadcast_in_dim3A_133 = vector.broadcast %broadcast_in_dim3A : f32 to vector<16xf32>
        %mul3A_134 = arith.constant 16 : i32
        %mul3A_135 = arith.muli %add3A_132, %mul3A_134 : i32
        %swap3A = arith.index_cast %add3A_122 : i32 to index
        %swap3A_136 = arith.index_cast %mul3A_135 : i32 to index
        %swap3A_137 = tpu.vector_load %arg13[%swap3A, %swap3A_136] {strides = array<i32>} : memref<128x128xf32, #tpu.memory_space<vmem>>, vector<1x16xf32>,
        %swap3A_138 = vector.shape_cast %swap3A_137 : vector<1x16xf32> to vector<16xf32>
        %swap3A_139 = vector.shape_cast %broadcast_in_dim3A_133 : vector<16xf32> to vector<1x16xf32>
        tpu.vector_store %arg13[%swap3A, %swap3A_136], %swap3A_139 {strides = array<i32>} : memref<128x128xf32, #tpu.memory_space<vmem>>, vector<1x16xf32>,
      }
      %scan3A_127 = arith.constant 8 : i32
    }
    %scan3A_6 = arith.constant 128 : i32
    %scan3A_7 = arith.constant 0 : i32
    %scan3A_8 = arith.constant 4 : i32
    %scan3A_9 = arith.addi %scan3A_7, %scan3A_8 : i32
    %scan3A_10 = arith.constant 1 : i32
    scf.for %scan3A_118 = %scan3A_7 to %scan3A_9 step %scan3A_10  : i32 {
      %mul3A_119 = arith.constant 1 : i32
      %mul3A_120 = arith.muli %scan3A_118, %mul3A_119 : i32
      %add3A_121 = arith.constant 0 : i32
      %add3A_122 = arith.addi %add3A_121, %mul3A_120 : i32
      %mul3A_123 = arith.constant 632 : i32
      %mul3A_124 = arith.muli %arg1, %mul3A_123 : i32
      %mul3A_125 = arith.constant 128 : i32
      %mul3A_126 = arith.muli %add3A_122, %mul3A_125 : i32
      %add3A_127 = arith.addi %mul3A_124, %mul3A_126 : i32
      %dma_start3A_128 = arith.constant 0 : i32
      %dma_start3A_129 = tpu.memref_slice %arg6[%add3A_127, %dma_start3A_128] : memref<10112x128xf32, #tpu.memory_space<vmem_shared>> -> memref<128x128xf32, #tpu.memory_space<vmem_shared>>
      %dma_start3A_130 = arith.constant 0 : i32
      %dma_start3A_131 = tpu.memref_slice %arg6[%add3A_127, %dma_start3A_130] : memref<10112x128xf32, #tpu.memory_space<vmem_shared>> -> memref<128x128xf32, #tpu.memory_space<vmem_shared>>
      tpu.enqueue_dma source(%arg13 : memref<128x128xf32, #tpu.memory_space<vmem>>) target(%dma_start3A_131 : memref<128x128xf32, #tpu.memory_space<vmem_shared>>) target_semaphore(%arg16 : memref<!tpu.dma_semaphore, #tpu.memory_space<semaphore_mem>>)
    }
    %scan3A_11 = arith.constant 4 : i32
    %mul3A_12 = arith.constant 632 : i32
    %mul3A_13 = arith.muli %arg1, %mul3A_12 : i32
    %add3A_14 = arith.constant 632 : i32
    %add3A_15 = arith.addi %mul3A_13, %add3A_14 : i32
    %sub3A = arith.constant 120 : i32
    %sub3A_16 = arith.subi %add3A_15, %sub3A : i32
    %dma_start3A = arith.constant 0 : i32
    %dma_start3A_17 = arith.constant 0 : i32
    %dma_start3A_18 = tpu.memref_slice %arg13[%dma_start3A, %dma_start3A_17] : memref<128x128xf32, #tpu.memory_space<vmem>> -> memref<120x128xf32, #tpu.memory_space<vmem>>
    %dma_start3A_19 = arith.constant 0 : i32
    %dma_start3A_20 = tpu.memref_slice %arg6[%sub3A_16, %dma_start3A_19] : memref<10112x128xf32, #tpu.memory_space<vmem_shared>> -> memref<120x128xf32, #tpu.memory_space<vmem_shared>>
    %dma_start3A_21 = arith.constant 0 : i32
    %dma_start3A_22 = tpu.memref_slice %arg6[%sub3A_16, %dma_start3A_21] : memref<10112x128xf32, #tpu.memory_space<vmem_shared>> -> memref<120x128xf32, #tpu.memory_space<vmem_shared>>
    %dma_start3A_23 = arith.constant 0 : i32
    %dma_start3A_24 = arith.constant 0 : i32
    %dma_start3A_25 = tpu.memref_slice %arg13[%dma_start3A_23, %dma_start3A_24] : memref<128x128xf32, #tpu.memory_space<vmem>> -> memref<120x128xf32, #tpu.memory_space<vmem>>
    tpu.enqueue_dma source(%dma_start3A_25 : memref<120x128xf32, #tpu.memory_space<vmem>>) target(%dma_start3A_22 : memref<120x128xf32, #tpu.memory_space<vmem_shared>>) target_semaphore(%arg16 : memref<!tpu.dma_semaphore, #tpu.memory_space<semaphore_mem>>)
    %scan3A_26 = arith.constant 0 : i32
    %scan3A_27 = arith.constant 4 : i32
    %scan3A_28 = arith.addi %scan3A_26, %scan3A_27 : i32
    %scan3A_29 = arith.constant 1 : i32
    scf.for %scan3A_118 = %scan3A_26 to %scan3A_28 step %scan3A_29  : i32 {
      %mul3A_119 = arith.constant 1 : i32
      %mul3A_120 = arith.muli %scan3A_118, %mul3A_119 : i32
      %add3A_121 = arith.constant 0 : i32
      %add3A_122 = arith.addi %add3A_121, %mul3A_120 : i32
      %mul3A_123 = arith.constant 632 : i32
      %mul3A_124 = arith.muli %arg1, %mul3A_123 : i32
      %dma_wait3A_125 = arith.constant 0 : i32
      %dma_wait3A_126 = tpu.memref_slice %arg6[%mul3A_124, %dma_wait3A_125] : memref<10112x128xf32, #tpu.memory_space<vmem_shared>> -> memref<128x128xf32, #tpu.memory_space<vmem_shared>>
      %dma_wait3A_127 = arith.constant 0 : i32
      %dma_wait3A_128 = tpu.memref_slice %arg6[%mul3A_124, %dma_wait3A_127] : memref<10112x128xf32, #tpu.memory_space<vmem_shared>> -> memref<128x128xf32, #tpu.memory_space<vmem_shared>>
      tpu.wait_dma2 semaphore(%arg16 : memref<!tpu.dma_semaphore, #tpu.memory_space<semaphore_mem>>) src(%arg13 : memref<128x128xf32, #tpu.memory_space<vmem>>) dst(%dma_wait3A_128 : memref<128x128xf32, #tpu.memory_space<vmem_shared>>)
    }
    %scan3A_30 = arith.constant 4 : i32
    %mul3A_31 = arith.constant 632 : i32
    %mul3A_32 = arith.muli %arg1, %mul3A_31 : i32
    %dma_wait3A = arith.constant 0 : i32
    %dma_wait3A_33 = arith.constant 0 : i32
    %dma_wait3A_34 = tpu.memref_slice %arg13[%dma_wait3A, %dma_wait3A_33] : memref<128x128xf32, #tpu.memory_space<vmem>> -> memref<120x128xf32, #tpu.memory_space<vmem>>
    %dma_wait3A_35 = arith.constant 0 : i32
    %dma_wait3A_36 = tpu.memref_slice %arg6[%mul3A_32, %dma_wait3A_35] : memref<10112x128xf32, #tpu.memory_space<vmem_shared>> -> memref<120x128xf32, #tpu.memory_space<vmem_shared>>
    %dma_wait3A_37 = arith.constant 0 : i32
    %dma_wait3A_38 = tpu.memref_slice %arg6[%mul3A_32, %dma_wait3A_37] : memref<10112x128xf32, #tpu.memory_space<vmem_shared>> -> memref<120x128xf32, #tpu.memory_space<vmem_shared>>
    %dma_wait3A_39 = arith.constant 0 : i32
    %dma_wait3A_40 = arith.constant 0 : i32
    %dma_wait3A_41 = tpu.memref_slice %arg13[%dma_wait3A_39, %dma_wait3A_40] : memref<128x128xf32, #tpu.memory_space<vmem>> -> memref<120x128xf32, #tpu.memory_space<vmem>>
    tpu.wait_dma2 semaphore(%arg16 : memref<!tpu.dma_semaphore, #tpu.memory_space<semaphore_mem>>) src(%dma_wait3A_41 : memref<120x128xf32, #tpu.memory_space<vmem>>) dst(%dma_wait3A_38 : memref<120x128xf32, #tpu.memory_space<vmem_shared>>)
    %barrier3A = arith.constant 0 : index
    tpu.barrier barrier_id(%barrier3A)
    %add3A_42 = arith.constant 0 : i32
    %add3A_43 = arith.addi %add3A, %add3A_42 : i32
    %mul3A_44 = arith.constant 128 : i32
    %mul3A_45 = arith.muli %add3A_43, %mul3A_44 : i32
    %dma_start3A_46 = tpu.memref_slice %arg4[%mul3A_45] : memref<320000xi32, #tpu.memory_space<hbm>> -> memref<128xi32, #tpu.memory_space<hbm>>
    %dma_start3A_47 = tpu.memref_slice %arg4[%mul3A_45] : memref<320000xi32, #tpu.memory_space<hbm>> -> memref<128xi32, #tpu.memory_space<hbm>>
    tpu.enqueue_dma source(%dma_start3A_47 : memref<128xi32, #tpu.memory_space<hbm>>) target(%arg7 : memref<128xi32, #tpu.memory_space<vmem>>) target_semaphore(%arg22 : memref<!tpu.dma_semaphore, #tpu.memory_space<semaphore_mem>>)
    %add3A_48 = arith.constant 0 : i32
    %add3A_49 = arith.addi %add3A, %add3A_48 : i32
    %mul3A_50 = arith.constant 128 : i32
    %mul3A_51 = arith.muli %add3A_49, %mul3A_50 : i32
    %dma_start3A_52 = tpu.memref_slice %arg3[%mul3A_51] : memref<320000xi32, #tpu.memory_space<hbm>> -> memref<128xi32, #tpu.memory_space<hbm>>
    %dma_start3A_53 = tpu.memref_slice %arg3[%mul3A_51] : memref<320000xi32, #tpu.memory_space<hbm>> -> memref<128xi32, #tpu.memory_space<hbm>>
    tpu.enqueue_dma source(%dma_start3A_53 : memref<128xi32, #tpu.memory_space<hbm>>) target(%arg10 : memref<128xi32, #tpu.memory_space<vmem>>) target_semaphore(%arg25 : memref<!tpu.dma_semaphore, #tpu.memory_space<semaphore_mem>>)
    %add3A_54 = arith.constant 1 : i32
    %add3A_55 = arith.addi %add3A, %add3A_54 : i32
    %mul3A_56 = arith.constant 128 : i32
    %mul3A_57 = arith.muli %add3A_55, %mul3A_56 : i32
    %dma_start3A_58 = tpu.memref_slice %arg4[%mul3A_57] : memref<320000xi32, #tpu.memory_space<hbm>> -> memref<128xi32, #tpu.memory_space<hbm>>
    %dma_start3A_59 = tpu.memref_slice %arg4[%mul3A_57] : memref<320000xi32, #tpu.memory_space<hbm>> -> memref<128xi32, #tpu.memory_space<hbm>>
    tpu.enqueue_dma source(%dma_start3A_59 : memref<128xi32, #tpu.memory_space<hbm>>) target(%arg8 : memref<128xi32, #tpu.memory_space<vmem>>) target_semaphore(%arg23 : memref<!tpu.dma_semaphore, #tpu.memory_space<semaphore_mem>>)
    %add3A_60 = arith.constant 1 : i32
    %add3A_61 = arith.addi %add3A, %add3A_60 : i32
    %mul3A_62 = arith.constant 128 : i32
    %mul3A_63 = arith.muli %add3A_61, %mul3A_62 : i32
    %dma_start3A_64 = tpu.memref_slice %arg3[%mul3A_63] : memref<320000xi32, #tpu.memory_space<hbm>> -> memref<128xi32, #tpu.memory_space<hbm>>
    %dma_start3A_65 = tpu.memref_slice %arg3[%mul3A_63] : memref<320000xi32, #tpu.memory_space<hbm>> -> memref<128xi32, #tpu.memory_space<hbm>>
    tpu.enqueue_dma source(%dma_start3A_65 : memref<128xi32, #tpu.memory_space<hbm>>) target(%arg11 : memref<128xi32, #tpu.memory_space<vmem>>) target_semaphore(%arg26 : memref<!tpu.dma_semaphore, #tpu.memory_space<semaphore_mem>>)
    %add3A_66 = arith.constant 2 : i32
    %add3A_67 = arith.addi %add3A, %add3A_66 : i32
    %mul3A_68 = arith.constant 128 : i32
    %mul3A_69 = arith.muli %add3A_67, %mul3A_68 : i32
    %dma_start3A_70 = tpu.memref_slice %arg4[%mul3A_69] : memref<320000xi32, #tpu.memory_space<hbm>> -> memref<128xi32, #tpu.memory_space<hbm>>
    %dma_start3A_71 = tpu.memref_slice %arg4[%mul3A_69] : memref<320000xi32, #tpu.memory_space<hbm>> -> memref<128xi32, #tpu.memory_space<hbm>>
    tpu.enqueue_dma source(%dma_start3A_71 : memref<128xi32, #tpu.memory_space<hbm>>) target(%arg9 : memref<128xi32, #tpu.memory_space<vmem>>) target_semaphore(%arg24 : memref<!tpu.dma_semaphore, #tpu.memory_space<semaphore_mem>>)
    %add3A_72 = arith.constant 2 : i32
    %add3A_73 = arith.addi %add3A, %add3A_72 : i32
    %mul3A_74 = arith.constant 128 : i32
    %mul3A_75 = arith.muli %add3A_73, %mul3A_74 : i32
    %dma_start3A_76 = tpu.memref_slice %arg3[%mul3A_75] : memref<320000xi32, #tpu.memory_space<hbm>> -> memref<128xi32, #tpu.memory_space<hbm>>
    %dma_start3A_77 = tpu.memref_slice %arg3[%mul3A_75] : memref<320000xi32, #tpu.memory_space<hbm>> -> memref<128xi32, #tpu.memory_space<hbm>>
    tpu.enqueue_dma source(%dma_start3A_77 : memref<128xi32, #tpu.memory_space<hbm>>) target(%arg12 : memref<128xi32, #tpu.memory_space<vmem>>) target_semaphore(%arg27 : memref<!tpu.dma_semaphore, #tpu.memory_space<semaphore_mem>>)
    %dma_wait3A_78 = arith.constant 0 : i32
    %dma_wait3A_79 = tpu.memref_slice %arg4[%dma_wait3A_78] : memref<320000xi32, #tpu.memory_space<hbm>> -> memref<128xi32, #tpu.memory_space<hbm>>
    %dma_wait3A_80 = arith.constant 0 : i32
    %dma_wait3A_81 = tpu.memref_slice %arg4[%dma_wait3A_80] : memref<320000xi32, #tpu.memory_space<hbm>> -> memref<128xi32, #tpu.memory_space<hbm>>
    tpu.wait_dma2 semaphore(%arg22 : memref<!tpu.dma_semaphore, #tpu.memory_space<semaphore_mem>>) src(%dma_wait3A_81 : memref<128xi32, #tpu.memory_space<hbm>>) dst(%arg7 : memref<128xi32, #tpu.memory_space<vmem>>)
    %dma_start3A_82 = arith.constant 0 : i32
    %dma_start3A_83 = arith.constant 0 : i32
    %dma_start3A_84 = tpu.memref_slice %arg2[%dma_start3A_82, %dma_start3A_83] : memref<10000x128xf32, #tpu.memory_space<hbm>> -> memref<10000x128xf32, #tpu.memory_space<hbm>>
    tpu.enqueue_indirect_dma source(%dma_start3A_84 : memref<10000x128xf32, #tpu.memory_space<hbm>>) target(%arg13 : memref<128x128xf32, #tpu.memory_space<vmem>>) offsets(%arg7 : memref<128xi32, #tpu.memory_space<vmem>>) semaphore(%arg16 : memref<!tpu.dma_semaphore, #tpu.memory_space<semaphore_mem>>)
    %dma_wait3A_85 = arith.constant 0 : i32
    %dma_wait3A_86 = tpu.memref_slice %arg4[%dma_wait3A_85] : memref<320000xi32, #tpu.memory_space<hbm>> -> memref<128xi32, #tpu.memory_space<hbm>>
    %dma_wait3A_87 = arith.constant 0 : i32
    %dma_wait3A_88 = tpu.memref_slice %arg4[%dma_wait3A_87] : memref<320000xi32, #tpu.memory_space<hbm>> -> memref<128xi32, #tpu.memory_space<hbm>>
    tpu.wait_dma2 semaphore(%arg23 : memref<!tpu.dma_semaphore, #tpu.memory_space<semaphore_mem>>) src(%dma_wait3A_88 : memref<128xi32, #tpu.memory_space<hbm>>) dst(%arg8 : memref<128xi32, #tpu.memory_space<vmem>>)
    %dma_start3A_89 = arith.constant 0 : i32
    %dma_start3A_90 = arith.constant 0 : i32
    %dma_start3A_91 = tpu.memref_slice %arg2[%dma_start3A_89, %dma_start3A_90] : memref<10000x128xf32, #tpu.memory_space<hbm>> -> memref<10000x128xf32, #tpu.memory_space<hbm>>
    tpu.enqueue_indirect_dma source(%dma_start3A_91 : memref<10000x128xf32, #tpu.memory_space<hbm>>) target(%arg14 : memref<128x128xf32, #tpu.memory_space<vmem>>) offsets(%arg8 : memref<128xi32, #tpu.memory_space<vmem>>) semaphore(%arg17 : memref<!tpu.dma_semaphore, #tpu.memory_space<semaphore_mem>>)
    %dma_wait3A_92 = arith.constant 0 : i32
    %dma_wait3A_93 = tpu.memref_slice %arg4[%dma_wait3A_92] : memref<320000xi32, #tpu.memory_space<hbm>> -> memref<128xi32, #tpu.memory_space<hbm>>
    %dma_wait3A_94 = arith.constant 0 : i32
    %dma_wait3A_95 = tpu.memref_slice %arg4[%dma_wait3A_94] : memref<320000xi32, #tpu.memory_space<hbm>> -> memref<128xi32, #tpu.memory_space<hbm>>
    tpu.wait_dma2 semaphore(%arg24 : memref<!tpu.dma_semaphore, #tpu.memory_space<semaphore_mem>>) src(%dma_wait3A_95 : memref<128xi32, #tpu.memory_space<hbm>>) dst(%arg9 : memref<128xi32, #tpu.memory_space<vmem>>)
    %dma_start3A_96 = arith.constant 0 : i32
    %dma_start3A_97 = arith.constant 0 : i32
    %dma_start3A_98 = tpu.memref_slice %arg2[%dma_start3A_96, %dma_start3A_97] : memref<10000x128xf32, #tpu.memory_space<hbm>> -> memref<10000x128xf32, #tpu.memory_space<hbm>>
    tpu.enqueue_indirect_dma source(%dma_start3A_98 : memref<10000x128xf32, #tpu.memory_space<hbm>>) target(%arg15 : memref<128x128xf32, #tpu.memory_space<vmem>>) offsets(%arg9 : memref<128xi32, #tpu.memory_space<vmem>>) semaphore(%arg18 : memref<!tpu.dma_semaphore, #tpu.memory_space<semaphore_mem>>)
    %scan3A_99 = arith.constant 0 : i32
    %scan3A_100 = arith.constant 26 : i32
    %scan3A_101 = arith.addi %scan3A_99, %scan3A_100 : i32
    %scan3A_102 = arith.constant 1 : i32
    scf.for %scan3A_118 = %scan3A_99 to %scan3A_101 step %scan3A_102  : i32 {
      %mul3A_119 = arith.constant 1 : i32
      %mul3A_120 = arith.muli %scan3A_118, %mul3A_119 : i32
      %add3A_121 = arith.constant 0 : i32
      %add3A_122 = arith.addi %add3A_121, %mul3A_120 : i32
      %add3A_123 = arith.constant 1 : i32
      %add3A_124 = arith.addi %add3A_122, %add3A_123 : i32
      %lt3A_125 = arith.constant 26 : i32
      %lt3A_126 = arith.cmpi slt, %add3A_124, %lt3A_125 : i32
      %dma_wait3A_127 = arith.constant 0 : i32
      %dma_wait3A_128 = arith.constant 0 : i32
      %dma_wait3A_129 = tpu.memref_slice %arg2[%dma_wait3A_127, %dma_wait3A_128] : memref<10000x128xf32, #tpu.memory_space<hbm>> -> memref<10000x128xf32, #tpu.memory_space<hbm>>
      tpu.wait_indirect_dma semaphore(%arg16 : memref<!tpu.dma_semaphore, #tpu.memory_space<semaphore_mem>>) src(%dma_wait3A_129 : memref<10000x128xf32, #tpu.memory_space<hbm>>) dst(%arg13 : memref<128x128xf32, #tpu.memory_space<vmem>>)
      %dma_wait3A_130 = arith.constant 0 : i32
      %dma_wait3A_131 = tpu.memref_slice %arg3[%dma_wait3A_130] : memref<320000xi32, #tpu.memory_space<hbm>> -> memref<128xi32, #tpu.memory_space<hbm>>
      %dma_wait3A_132 = arith.constant 0 : i32
      %dma_wait3A_133 = tpu.memref_slice %arg3[%dma_wait3A_132] : memref<320000xi32, #tpu.memory_space<hbm>> -> memref<128xi32, #tpu.memory_space<hbm>>
      tpu.wait_dma2 semaphore(%arg25 : memref<!tpu.dma_semaphore, #tpu.memory_space<semaphore_mem>>) src(%dma_wait3A_133 : memref<128xi32, #tpu.memory_space<hbm>>) dst(%arg10 : memref<128xi32, #tpu.memory_space<vmem>>)
      %dma_start3A_134 = arith.constant 0 : i32
      %dma_start3A_135 = arith.constant 0 : i32
      %dma_start3A_136 = tpu.memref_slice %arg6[%dma_start3A_134, %dma_start3A_135] : memref<10112x128xf32, #tpu.memory_space<vmem_shared>> -> memref<10112x128xf32, #tpu.memory_space<vmem_shared>>
      tpu.enqueue_indirect_dma source(%arg13 : memref<128x128xf32, #tpu.memory_space<vmem>>) target(%dma_start3A_136 : memref<10112x128xf32, #tpu.memory_space<vmem_shared>>) offsets(%arg10 : memref<128xi32, #tpu.memory_space<vmem>>) semaphore(%arg19 : memref<!tpu.dma_semaphore, #tpu.memory_space<semaphore_mem>>) {add = true}
      %convert_element_type3A_137 = arith.extui %lt3A_126 : i1 to i32
      %cond3A_138 = arith.constant 0 : i32
      %cond3A_139 = arith.cmpi ne, %convert_element_type3A_137, %cond3A_138 : i32
      scf.if %cond3A_139 {
        %add3A_169 = arith.constant 1 : i32
        %add3A_170 = arith.addi %add3A_122, %add3A_169 : i32
        %mul3A_171 = arith.constant 3 : i32
        %mul3A_172 = arith.muli %mul3A_171, %add3A_170 : i32
        %add3A_173 = arith.constant 0 : i32
        %add3A_174 = arith.addi %mul3A_172, %add3A_173 : i32
        %add3A_175 = arith.addi %add3A, %add3A_174 : i32
        %mul3A_176 = arith.constant 128 : i32
        %mul3A_177 = arith.muli %add3A_175, %mul3A_176 : i32
        %dma_start3A_178 = tpu.memref_slice %arg4[%mul3A_177] : memref<320000xi32, #tpu.memory_space<hbm>> -> memref<128xi32, #tpu.memory_space<hbm>>
        %dma_start3A_179 = tpu.memref_slice %arg4[%mul3A_177] : memref<320000xi32, #tpu.memory_space<hbm>> -> memref<128xi32, #tpu.memory_space<hbm>>
        tpu.enqueue_dma source(%dma_start3A_179 : memref<128xi32, #tpu.memory_space<hbm>>) target(%arg7 : memref<128xi32, #tpu.memory_space<vmem>>) target_semaphore(%arg22 : memref<!tpu.dma_semaphore, #tpu.memory_space<semaphore_mem>>)
      } else {
      }
      %dma_wait3A_140 = arith.constant 0 : i32
      %dma_wait3A_141 = arith.constant 0 : i32
      %dma_wait3A_142 = tpu.memref_slice %arg2[%dma_wait3A_140, %dma_wait3A_141] : memref<10000x128xf32, #tpu.memory_space<hbm>> -> memref<10000x128xf32, #tpu.memory_space<hbm>>
      tpu.wait_indirect_dma semaphore(%arg17 : memref<!tpu.dma_semaphore, #tpu.memory_space<semaphore_mem>>) src(%dma_wait3A_142 : memref<10000x128xf32, #tpu.memory_space<hbm>>) dst(%arg14 : memref<128x128xf32, #tpu.memory_space<vmem>>)
      %dma_wait3A_143 = arith.constant 0 : i32
      %dma_wait3A_144 = tpu.memref_slice %arg3[%dma_wait3A_143] : memref<320000xi32, #tpu.memory_space<hbm>> -> memref<128xi32, #tpu.memory_space<hbm>>
      %dma_wait3A_145 = arith.constant 0 : i32
      %dma_wait3A_146 = tpu.memref_slice %arg3[%dma_wait3A_145] : memref<320000xi32, #tpu.memory_space<hbm>> -> memref<128xi32, #tpu.memory_space<hbm>>
      tpu.wait_dma2 semaphore(%arg26 : memref<!tpu.dma_semaphore, #tpu.memory_space<semaphore_mem>>) src(%dma_wait3A_146 : memref<128xi32, #tpu.memory_space<hbm>>) dst(%arg11 : memref<128xi32, #tpu.memory_space<vmem>>)
      %dma_start3A_147 = arith.constant 0 : i32
      %dma_start3A_148 = arith.constant 0 : i32
      %dma_start3A_149 = tpu.memref_slice %arg6[%dma_start3A_147, %dma_start3A_148] : memref<10112x128xf32, #tpu.memory_space<vmem_shared>> -> memref<10112x128xf32, #tpu.memory_space<vmem_shared>>
      tpu.enqueue_indirect_dma source(%arg14 : memref<128x128xf32, #tpu.memory_space<vmem>>) target(%dma_start3A_149 : memref<10112x128xf32, #tpu.memory_space<vmem_shared>>) offsets(%arg11 : memref<128xi32, #tpu.memory_space<vmem>>) semaphore(%arg20 : memref<!tpu.dma_semaphore, #tpu.memory_space<semaphore_mem>>) {add = true}
      %convert_element_type3A_150 = arith.extui %lt3A_126 : i1 to i32
      %cond3A_151 = arith.constant 0 : i32
      %cond3A_152 = arith.cmpi ne, %convert_element_type3A_150, %cond3A_151 : i32
      scf.if %cond3A_152 {
        %add3A_169 = arith.constant 1 : i32
        %add3A_170 = arith.addi %add3A_122, %add3A_169 : i32
        %mul3A_171 = arith.constant 3 : i32
        %mul3A_172 = arith.muli %mul3A_171, %add3A_170 : i32
        %add3A_173 = arith.constant 1 : i32
        %add3A_174 = arith.addi %mul3A_172, %add3A_173 : i32
        %add3A_175 = arith.addi %add3A, %add3A_174 : i32
        %mul3A_176 = arith.constant 128 : i32
        %mul3A_177 = arith.muli %add3A_175, %mul3A_176 : i32
        %dma_start3A_178 = tpu.memref_slice %arg4[%mul3A_177] : memref<320000xi32, #tpu.memory_space<hbm>> -> memref<128xi32, #tpu.memory_space<hbm>>
        %dma_start3A_179 = tpu.memref_slice %arg4[%mul3A_177] : memref<320000xi32, #tpu.memory_space<hbm>> -> memref<128xi32, #tpu.memory_space<hbm>>
        tpu.enqueue_dma source(%dma_start3A_179 : memref<128xi32, #tpu.memory_space<hbm>>) target(%arg8 : memref<128xi32, #tpu.memory_space<vmem>>) target_semaphore(%arg23 : memref<!tpu.dma_semaphore, #tpu.memory_space<semaphore_mem>>)
      } else {
      }
      %dma_wait3A_153 = arith.constant 0 : i32
      %dma_wait3A_154 = arith.constant 0 : i32
      %dma_wait3A_155 = tpu.memref_slice %arg2[%dma_wait3A_153, %dma_wait3A_154] : memref<10000x128xf32, #tpu.memory_space<hbm>> -> memref<10000x128xf32, #tpu.memory_space<hbm>>
      tpu.wait_indirect_dma semaphore(%arg18 : memref<!tpu.dma_semaphore, #tpu.memory_space<semaphore_mem>>) src(%dma_wait3A_155 : memref<10000x128xf32, #tpu.memory_space<hbm>>) dst(%arg15 : memref<128x128xf32, #tpu.memory_space<vmem>>)
      %dma_wait3A_156 = arith.constant 0 : i32
      %dma_wait3A_157 = tpu.memref_slice %arg3[%dma_wait3A_156] : memref<320000xi32, #tpu.memory_space<hbm>> -> memref<128xi32, #tpu.memory_space<hbm>>
      %dma_wait3A_158 = arith.constant 0 : i32
      %dma_wait3A_159 = tpu.memref_slice %arg3[%dma_wait3A_158] : memref<320000xi32, #tpu.memory_space<hbm>> -> memref<128xi32, #tpu.memory_space<hbm>>
      tpu.wait_dma2 semaphore(%arg27 : memref<!tpu.dma_semaphore, #tpu.memory_space<semaphore_mem>>) src(%dma_wait3A_159 : memref<128xi32, #tpu.memory_space<hbm>>) dst(%arg12 : memref<128xi32, #tpu.memory_space<vmem>>)
      %dma_start3A_160 = arith.constant 0 : i32
      %dma_start3A_161 = arith.constant 0 : i32
      %dma_start3A_162 = tpu.memref_slice %arg6[%dma_start3A_160, %dma_start3A_161] : memref<10112x128xf32, #tpu.memory_space<vmem_shared>> -> memref<10112x128xf32, #tpu.memory_space<vmem_shared>>
      tpu.enqueue_indirect_dma source(%arg15 : memref<128x128xf32, #tpu.memory_space<vmem>>) target(%dma_start3A_162 : memref<10112x128xf32, #tpu.memory_space<vmem_shared>>) offsets(%arg12 : memref<128xi32, #tpu.memory_space<vmem>>) semaphore(%arg21 : memref<!tpu.dma_semaphore, #tpu.memory_space<semaphore_mem>>) {add = true}
      %convert_element_type3A_163 = arith.extui %lt3A_126 : i1 to i32
      %cond3A_164 = arith.constant 0 : i32
      %cond3A_165 = arith.cmpi ne, %convert_element_type3A_163, %cond3A_164 : i32
      scf.if %cond3A_165 {
        %add3A_169 = arith.constant 1 : i32
        %add3A_170 = arith.addi %add3A_122, %add3A_169 : i32
        %mul3A_171 = arith.constant 3 : i32
        %mul3A_172 = arith.muli %mul3A_171, %add3A_170 : i32
        %add3A_173 = arith.constant 2 : i32
        %add3A_174 = arith.addi %mul3A_172, %add3A_173 : i32
        %add3A_175 = arith.addi %add3A, %add3A_174 : i32
        %mul3A_176 = arith.constant 128 : i32
        %mul3A_177 = arith.muli %add3A_175, %mul3A_176 : i32
        %dma_start3A_178 = tpu.memref_slice %arg4[%mul3A_177] : memref<320000xi32, #tpu.memory_space<hbm>> -> memref<128xi32, #tpu.memory_space<hbm>>
        %dma_start3A_179 = tpu.memref_slice %arg4[%mul3A_177] : memref<320000xi32, #tpu.memory_space<hbm>> -> memref<128xi32, #tpu.memory_space<hbm>>
        tpu.enqueue_dma source(%dma_start3A_179 : memref<128xi32, #tpu.memory_space<hbm>>) target(%arg9 : memref<128xi32, #tpu.memory_space<vmem>>) target_semaphore(%arg24 : memref<!tpu.dma_semaphore, #tpu.memory_space<semaphore_mem>>)
      } else {
      }
      %convert_element_type3A_166 = arith.extui %lt3A_126 : i1 to i32
      %cond3A_167 = arith.constant 0 : i32
      %cond3A_168 = arith.cmpi ne, %convert_element_type3A_166, %cond3A_167 : i32
      scf.if %cond3A_168 {
        %dma_wait3A_169 = arith.constant 0 : i32
        %dma_wait3A_170 = arith.constant 0 : i32
        %dma_wait3A_171 = tpu.memref_slice %arg6[%dma_wait3A_169, %dma_wait3A_170] : memref<10112x128xf32, #tpu.memory_space<vmem_shared>> -> memref<10112x128xf32, #tpu.memory_space<vmem_shared>>
        tpu.wait_indirect_dma semaphore(%arg19 : memref<!tpu.dma_semaphore, #tpu.memory_space<semaphore_mem>>) src(%arg13 : memref<128x128xf32, #tpu.memory_space<vmem>>) dst(%dma_wait3A_171 : memref<10112x128xf32, #tpu.memory_space<vmem_shared>>)
        %dma_wait3A_172 = arith.constant 0 : i32
        %dma_wait3A_173 = tpu.memref_slice %arg4[%dma_wait3A_172] : memref<320000xi32, #tpu.memory_space<hbm>> -> memref<128xi32, #tpu.memory_space<hbm>>
        %dma_wait3A_174 = arith.constant 0 : i32
        %dma_wait3A_175 = tpu.memref_slice %arg4[%dma_wait3A_174] : memref<320000xi32, #tpu.memory_space<hbm>> -> memref<128xi32, #tpu.memory_space<hbm>>
        tpu.wait_dma2 semaphore(%arg22 : memref<!tpu.dma_semaphore, #tpu.memory_space<semaphore_mem>>) src(%dma_wait3A_175 : memref<128xi32, #tpu.memory_space<hbm>>) dst(%arg7 : memref<128xi32, #tpu.memory_space<vmem>>)
        %dma_start3A_176 = arith.constant 0 : i32
        %dma_start3A_177 = arith.constant 0 : i32
        %dma_start3A_178 = tpu.memref_slice %arg2[%dma_start3A_176, %dma_start3A_177] : memref<10000x128xf32, #tpu.memory_space<hbm>> -> memref<10000x128xf32, #tpu.memory_space<hbm>>
        tpu.enqueue_indirect_dma source(%dma_start3A_178 : memref<10000x128xf32, #tpu.memory_space<hbm>>) target(%arg13 : memref<128x128xf32, #tpu.memory_space<vmem>>) offsets(%arg7 : memref<128xi32, #tpu.memory_space<vmem>>) semaphore(%arg16 : memref<!tpu.dma_semaphore, #tpu.memory_space<semaphore_mem>>)
        %add3A_179 = arith.constant 1 : i32
        %add3A_180 = arith.addi %add3A_122, %add3A_179 : i32
        %mul3A_181 = arith.constant 3 : i32
        %mul3A_182 = arith.muli %mul3A_181, %add3A_180 : i32
        %add3A_183 = arith.constant 0 : i32
        %add3A_184 = arith.addi %mul3A_182, %add3A_183 : i32
        %add3A_185 = arith.addi %add3A, %add3A_184 : i32
        %mul3A_186 = arith.constant 128 : i32
        %mul3A_187 = arith.muli %add3A_185, %mul3A_186 : i32
        %dma_start3A_188 = tpu.memref_slice %arg3[%mul3A_187] : memref<320000xi32, #tpu.memory_space<hbm>> -> memref<128xi32, #tpu.memory_space<hbm>>
        %dma_start3A_189 = tpu.memref_slice %arg3[%mul3A_187] : memref<320000xi32, #tpu.memory_space<hbm>> -> memref<128xi32, #tpu.memory_space<hbm>>
        tpu.enqueue_dma source(%dma_start3A_189 : memref<128xi32, #tpu.memory_space<hbm>>) target(%arg10 : memref<128xi32, #tpu.memory_space<vmem>>) target_semaphore(%arg25 : memref<!tpu.dma_semaphore, #tpu.memory_space<semaphore_mem>>)
        %dma_wait3A_190 = arith.constant 0 : i32
        %dma_wait3A_191 = arith.constant 0 : i32
        %dma_wait3A_192 = tpu.memref_slice %arg6[%dma_wait3A_190, %dma_wait3A_191] : memref<10112x128xf32, #tpu.memory_space<vmem_shared>> -> memref<10112x128xf32, #tpu.memory_space<vmem_shared>>
        tpu.wait_indirect_dma semaphore(%arg20 : memref<!tpu.dma_semaphore, #tpu.memory_space<semaphore_mem>>) src(%arg14 : memref<128x128xf32, #tpu.memory_space<vmem>>) dst(%dma_wait3A_192 : memref<10112x128xf32, #tpu.memory_space<vmem_shared>>)
        %dma_wait3A_193 = arith.constant 0 : i32
        %dma_wait3A_194 = tpu.memref_slice %arg4[%dma_wait3A_193] : memref<320000xi32, #tpu.memory_space<hbm>> -> memref<128xi32, #tpu.memory_space<hbm>>
        %dma_wait3A_195 = arith.constant 0 : i32
        %dma_wait3A_196 = tpu.memref_slice %arg4[%dma_wait3A_195] : memref<320000xi32, #tpu.memory_space<hbm>> -> memref<128xi32, #tpu.memory_space<hbm>>
        tpu.wait_dma2 semaphore(%arg23 : memref<!tpu.dma_semaphore, #tpu.memory_space<semaphore_mem>>) src(%dma_wait3A_196 : memref<128xi32, #tpu.memory_space<hbm>>) dst(%arg8 : memref<128xi32, #tpu.memory_space<vmem>>)
        %dma_start3A_197 = arith.constant 0 : i32
        %dma_start3A_198 = arith.constant 0 : i32
        %dma_start3A_199 = tpu.memref_slice %arg2[%dma_start3A_197, %dma_start3A_198] : memref<10000x128xf32, #tpu.memory_space<hbm>> -> memref<10000x128xf32, #tpu.memory_space<hbm>>
        tpu.enqueue_indirect_dma source(%dma_start3A_199 : memref<10000x128xf32, #tpu.memory_space<hbm>>) target(%arg14 : memref<128x128xf32, #tpu.memory_space<vmem>>) offsets(%arg8 : memref<128xi32, #tpu.memory_space<vmem>>) semaphore(%arg17 : memref<!tpu.dma_semaphore, #tpu.memory_space<semaphore_mem>>)
        %add3A_200 = arith.constant 1 : i32
        %add3A_201 = arith.addi %add3A_122, %add3A_200 : i32
        %mul3A_202 = arith.constant 3 : i32
        %mul3A_203 = arith.muli %mul3A_202, %add3A_201 : i32
        %add3A_204 = arith.constant 1 : i32
        %add3A_205 = arith.addi %mul3A_203, %add3A_204 : i32
        %add3A_206 = arith.addi %add3A, %add3A_205 : i32
        %mul3A_207 = arith.constant 128 : i32
        %mul3A_208 = arith.muli %add3A_206, %mul3A_207 : i32
        %dma_start3A_209 = tpu.memref_slice %arg3[%mul3A_208] : memref<320000xi32, #tpu.memory_space<hbm>> -> memref<128xi32, #tpu.memory_space<hbm>>
        %dma_start3A_210 = tpu.memref_slice %arg3[%mul3A_208] : memref<320000xi32, #tpu.memory_space<hbm>> -> memref<128xi32, #tpu.memory_space<hbm>>
        tpu.enqueue_dma source(%dma_start3A_210 : memref<128xi32, #tpu.memory_space<hbm>>) target(%arg11 : memref<128xi32, #tpu.memory_space<vmem>>) target_semaphore(%arg26 : memref<!tpu.dma_semaphore, #tpu.memory_space<semaphore_mem>>)
        %dma_wait3A_211 = arith.constant 0 : i32
        %dma_wait3A_212 = arith.constant 0 : i32
        %dma_wait3A_213 = tpu.memref_slice %arg6[%dma_wait3A_211, %dma_wait3A_212] : memref<10112x128xf32, #tpu.memory_space<vmem_shared>> -> memref<10112x128xf32, #tpu.memory_space<vmem_shared>>
        tpu.wait_indirect_dma semaphore(%arg21 : memref<!tpu.dma_semaphore, #tpu.memory_space<semaphore_mem>>) src(%arg15 : memref<128x128xf32, #tpu.memory_space<vmem>>) dst(%dma_wait3A_213 : memref<10112x128xf32, #tpu.memory_space<vmem_shared>>)
        %dma_wait3A_214 = arith.constant 0 : i32
        %dma_wait3A_215 = tpu.memref_slice %arg4[%dma_wait3A_214] : memref<320000xi32, #tpu.memory_space<hbm>> -> memref<128xi32, #tpu.memory_space<hbm>>
        %dma_wait3A_216 = arith.constant 0 : i32
        %dma_wait3A_217 = tpu.memref_slice %arg4[%dma_wait3A_216] : memref<320000xi32, #tpu.memory_space<hbm>> -> memref<128xi32, #tpu.memory_space<hbm>>
        tpu.wait_dma2 semaphore(%arg24 : memref<!tpu.dma_semaphore, #tpu.memory_space<semaphore_mem>>) src(%dma_wait3A_217 : memref<128xi32, #tpu.memory_space<hbm>>) dst(%arg9 : memref<128xi32, #tpu.memory_space<vmem>>)
        %dma_start3A_218 = arith.constant 0 : i32
        %dma_start3A_219 = arith.constant 0 : i32
        %dma_start3A_220 = tpu.memref_slice %arg2[%dma_start3A_218, %dma_start3A_219] : memref<10000x128xf32, #tpu.memory_space<hbm>> -> memref<10000x128xf32, #tpu.memory_space<hbm>>
        tpu.enqueue_indirect_dma source(%dma_start3A_220 : memref<10000x128xf32, #tpu.memory_space<hbm>>) target(%arg15 : memref<128x128xf32, #tpu.memory_space<vmem>>) offsets(%arg9 : memref<128xi32, #tpu.memory_space<vmem>>) semaphore(%arg18 : memref<!tpu.dma_semaphore, #tpu.memory_space<semaphore_mem>>)
        %add3A_221 = arith.constant 1 : i32
        %add3A_222 = arith.addi %add3A_122, %add3A_221 : i32
        %mul3A_223 = arith.constant 3 : i32
        %mul3A_224 = arith.muli %mul3A_223, %add3A_222 : i32
        %add3A_225 = arith.constant 2 : i32
        %add3A_226 = arith.addi %mul3A_224, %add3A_225 : i32
        %add3A_227 = arith.addi %add3A, %add3A_226 : i32
        %mul3A_228 = arith.constant 128 : i32
        %mul3A_229 = arith.muli %add3A_227, %mul3A_228 : i32
        %dma_start3A_230 = tpu.memref_slice %arg3[%mul3A_229] : memref<320000xi32, #tpu.memory_space<hbm>> -> memref<128xi32, #tpu.memory_space<hbm>>
        %dma_start3A_231 = tpu.memref_slice %arg3[%mul3A_229] : memref<320000xi32, #tpu.memory_space<hbm>> -> memref<128xi32, #tpu.memory_space<hbm>>
        tpu.enqueue_dma source(%dma_start3A_231 : memref<128xi32, #tpu.memory_space<hbm>>) target(%arg12 : memref<128xi32, #tpu.memory_space<vmem>>) target_semaphore(%arg27 : memref<!tpu.dma_semaphore, #tpu.memory_space<semaphore_mem>>)
      } else {
      }
    }
    %scan3A_103 = arith.constant 26 : i32
    %dma_wait3A_104 = arith.constant 0 : i32
    %dma_wait3A_105 = arith.constant 0 : i32
    %dma_wait3A_106 = tpu.memref_slice %arg6[%dma_wait3A_104, %dma_wait3A_105] : memref<10112x128xf32, #tpu.memory_space<vmem_shared>> -> memref<10112x128xf32, #tpu.memory_space<vmem_shared>>
    tpu.wait_indirect_dma semaphore(%arg19 : memref<!tpu.dma_semaphore, #tpu.memory_space<semaphore_mem>>) src(%arg13 : memref<128x128xf32, #tpu.memory_space<vmem>>) dst(%dma_wait3A_106 : memref<10112x128xf32, #tpu.memory_space<vmem_shared>>)
    %dma_wait3A_107 = arith.constant 0 : i32
    %dma_wait3A_108 = arith.constant 0 : i32
    %dma_wait3A_109 = tpu.memref_slice %arg6[%dma_wait3A_107, %dma_wait3A_108] : memref<10112x128xf32, #tpu.memory_space<vmem_shared>> -> memref<10112x128xf32, #tpu.memory_space<vmem_shared>>
    tpu.wait_indirect_dma semaphore(%arg20 : memref<!tpu.dma_semaphore, #tpu.memory_space<semaphore_mem>>) src(%arg14 : memref<128x128xf32, #tpu.memory_space<vmem>>) dst(%dma_wait3A_109 : memref<10112x128xf32, #tpu.memory_space<vmem_shared>>)
    %dma_wait3A_110 = arith.constant 0 : i32
    %dma_wait3A_111 = arith.constant 0 : i32
    %dma_wait3A_112 = tpu.memref_slice %arg6[%dma_wait3A_110, %dma_wait3A_111] : memref<10112x128xf32, #tpu.memory_space<vmem_shared>> -> memref<10112x128xf32, #tpu.memory_space<vmem_shared>>
    tpu.wait_indirect_dma semaphore(%arg21 : memref<!tpu.dma_semaphore, #tpu.memory_space<semaphore_mem>>) src(%arg15 : memref<128x128xf32, #tpu.memory_space<vmem>>) dst(%dma_wait3A_112 : memref<10112x128xf32, #tpu.memory_space<vmem_shared>>)
    %lt3A = arith.constant 2 : i32
    %lt3A_113 = arith.cmpi slt, %arg1, %lt3A : i32
    %convert_element_type3A = arith.extui %lt3A_113 : i1 to i32
    %cond3A = arith.constant 0 : i32
    %cond3A_114 = arith.cmpi ne, %convert_element_type3A, %cond3A : i32
    scf.if %cond3A_114 {
      %mul3A_118 = arith.constant 1250 : i32
      %mul3A_119 = arith.muli %arg0, %mul3A_118 : i32
      %add3A_120 = arith.constant 1248 : i32
      %add3A_121 = arith.addi %mul3A_119, %add3A_120 : i32
      %add3A_122 = arith.addi %add3A_121, %arg1 : i32
      %mul3A_123 = arith.constant 128 : i32
      %mul3A_124 = arith.muli %add3A_122, %mul3A_123 : i32
      "tpu.region"() ({
        %run_scoped3A = tpu.sem_alloc : memref<!tpu.dma_semaphore, #tpu.memory_space<semaphore_mem>>
        %dma_start3A_133 = tpu.memref_slice %arg4[%mul3A_124] : memref<320000xi32, #tpu.memory_space<hbm>> -> memref<128xi32, #tpu.memory_space<hbm>>
        %dma_start3A_134 = tpu.memref_slice %arg4[%mul3A_124] : memref<320000xi32, #tpu.memory_space<hbm>> -> memref<128xi32, #tpu.memory_space<hbm>>
        tpu.enqueue_dma source(%dma_start3A_134 : memref<128xi32, #tpu.memory_space<hbm>>) target(%arg7 : memref<128xi32, #tpu.memory_space<vmem>>) target_semaphore(%run_scoped3A : memref<!tpu.dma_semaphore, #tpu.memory_space<semaphore_mem>>)
        %dma_wait3A_135 = tpu.memref_slice %arg4[%mul3A_124] : memref<320000xi32, #tpu.memory_space<hbm>> -> memref<128xi32, #tpu.memory_space<hbm>>
        %dma_wait3A_136 = tpu.memref_slice %arg4[%mul3A_124] : memref<320000xi32, #tpu.memory_space<hbm>> -> memref<128xi32, #tpu.memory_space<hbm>>
        tpu.wait_dma2 semaphore(%run_scoped3A : memref<!tpu.dma_semaphore, #tpu.memory_space<semaphore_mem>>) src(%dma_wait3A_136 : memref<128xi32, #tpu.memory_space<hbm>>) dst(%arg7 : memref<128xi32, #tpu.memory_space<vmem>>)
        tpu.yield
      }) : () -> ()
      %mul3A_125 = arith.constant 128 : i32
      %mul3A_126 = arith.muli %add3A_122, %mul3A_125 : i32
      "tpu.region"() ({
        %run_scoped3A = tpu.sem_alloc : memref<!tpu.dma_semaphore, #tpu.memory_space<semaphore_mem>>
        %dma_start3A_133 = tpu.memref_slice %arg3[%mul3A_126] : memref<320000xi32, #tpu.memory_space<hbm>> -> memref<128xi32, #tpu.memory_space<hbm>>
        %dma_start3A_134 = tpu.memref_slice %arg3[%mul3A_126] : memref<320000xi32, #tpu.memory_space<hbm>> -> memref<128xi32, #tpu.memory_space<hbm>>
        tpu.enqueue_dma source(%dma_start3A_134 : memref<128xi32, #tpu.memory_space<hbm>>) target(%arg10 : memref<128xi32, #tpu.memory_space<vmem>>) target_semaphore(%run_scoped3A : memref<!tpu.dma_semaphore, #tpu.memory_space<semaphore_mem>>)
        %dma_wait3A_135 = tpu.memref_slice %arg3[%mul3A_126] : memref<320000xi32, #tpu.memory_space<hbm>> -> memref<128xi32, #tpu.memory_space<hbm>>
        %dma_wait3A_136 = tpu.memref_slice %arg3[%mul3A_126] : memref<320000xi32, #tpu.memory_space<hbm>> -> memref<128xi32, #tpu.memory_space<hbm>>
        tpu.wait_dma2 semaphore(%run_scoped3A : memref<!tpu.dma_semaphore, #tpu.memory_space<semaphore_mem>>) src(%dma_wait3A_136 : memref<128xi32, #tpu.memory_space<hbm>>) dst(%arg10 : memref<128xi32, #tpu.memory_space<vmem>>)
        tpu.yield
      }) : () -> ()
      %dma_start3A_127 = arith.constant 0 : i32
      %dma_start3A_128 = arith.constant 0 : i32
      %dma_start3A_129 = tpu.memref_slice %arg2[%dma_start3A_127, %dma_start3A_128] : memref<10000x128xf32, #tpu.memory_space<hbm>> -> memref<10000x128xf32, #tpu.memory_space<hbm>>
      tpu.enqueue_indirect_dma source(%dma_start3A_129 : memref<10000x128xf32, #tpu.memory_space<hbm>>) target(%arg13 : memref<128x128xf32, #tpu.memory_space<vmem>>) offsets(%arg7 : memref<128xi32, #tpu.memory_space<vmem>>) semaphore(%arg16 : memref<!tpu.dma_semaphore, #tpu.memory_space<semaphore_mem>>)
      %dma_wait3A_130 = arith.constant 0 : i32
      %dma_wait3A_131 = arith.constant 0 : i32
      %dma_wait3A_132 = tpu.memref_slice %arg2[%dma_wait3A_130, %dma_wait3A_131] : memref<10000x128xf32, #tpu.memory_space<hbm>> -> memref<10000x128xf32, #tpu.memory_space<hbm>>
      tpu.wait_indirect_dma semaphore(%arg16 : memref<!tpu.dma_semaphore, #tpu.memory_space<semaphore_mem>>) src(%dma_wait3A_132 : memref<10000x128xf32, #tpu.memory_space<hbm>>) dst(%arg13 : memref<128x128xf32, #tpu.memory_space<vmem>>)
      "tpu.region"() ({
        %run_scoped3A = tpu.sem_alloc : memref<!tpu.dma_semaphore, #tpu.memory_space<semaphore_mem>>
        %dma_start3A_133 = arith.constant 0 : i32
        %dma_start3A_134 = arith.constant 0 : i32
        %dma_start3A_135 = tpu.memref_slice %arg6[%dma_start3A_133, %dma_start3A_134] : memref<10112x128xf32, #tpu.memory_space<vmem_shared>> -> memref<10112x128xf32, #tpu.memory_space<vmem_shared>>
        tpu.enqueue_indirect_dma source(%arg13 : memref<128x128xf32, #tpu.memory_space<vmem>>) target(%dma_start3A_135 : memref<10112x128xf32, #tpu.memory_space<vmem_shared>>) offsets(%arg10 : memref<128xi32, #tpu.memory_space<vmem>>) semaphore(%run_scoped3A : memref<!tpu.dma_semaphore, #tpu.memory_space<semaphore_mem>>) {add = true}
        %dma_wait3A_136 = arith.constant 0 : i32
        %dma_wait3A_137 = arith.constant 0 : i32
        %dma_wait3A_138 = tpu.memref_slice %arg6[%dma_wait3A_136, %dma_wait3A_137] : memref<10112x128xf32, #tpu.memory_space<vmem_shared>> -> memref<10112x128xf32, #tpu.memory_space<vmem_shared>>
        tpu.wait_indirect_dma semaphore(%run_scoped3A : memref<!tpu.dma_semaphore, #tpu.memory_space<semaphore_mem>>) src(%arg13 : memref<128x128xf32, #tpu.memory_space<vmem>>) dst(%dma_wait3A_138 : memref<10112x128xf32, #tpu.memory_space<vmem_shared>>)
        tpu.yield
      }) : () -> ()
    } else {
    }
    %barrier3A_115 = arith.constant 0 : index
    tpu.barrier barrier_id(%barrier3A_115)
    %mul3A_116 = arith.constant 632 : i32
    %mul3A_117 = arith.muli %arg1, %mul3A_116 : i32
    "tpu.region"() ({
      %run_scoped3A = tpu.sem_alloc : memref<!tpu.dma_semaphore, #tpu.memory_space<semaphore_mem>>
      %dma_start3A_118 = arith.constant 0 : i32
      %dma_start3A_119 = tpu.memref_slice %arg5[%arg0, %mul3A_117, %dma_start3A_118] : memref<2x10112x128xf32, #tpu.memory_space<hbm>> -> memref<1x632x128xf32, #tpu.memory_space<hbm>>
      %dma_start3A_120 = tpu.memref_squeeze %dma_start3A_119 : memref<1x632x128xf32, #tpu.memory_space<hbm>> -> memref<632x128xf32, #tpu.memory_space<hbm>>
      %dma_start3A_121 = arith.constant 0 : i32
      %dma_start3A_122 = tpu.memref_slice %arg6[%mul3A_117, %dma_start3A_121] : memref<10112x128xf32, #tpu.memory_space<vmem_shared>> -> memref<632x128xf32, #tpu.memory_space<vmem_shared>>
      tpu.enqueue_dma source(%dma_start3A_122 : memref<632x128xf32, #tpu.memory_space<vmem_shared>>) target(%dma_start3A_120 : memref<632x128xf32, #tpu.memory_space<hbm>>) target_semaphore(%run_scoped3A : memref<!tpu.dma_semaphore, #tpu.memory_space<semaphore_mem>>)
      %dma_wait3A_123 = arith.constant 0 : i32
      %dma_wait3A_124 = tpu.memref_slice %arg5[%arg0, %mul3A_117, %dma_wait3A_123] : memref<2x10112x128xf32, #tpu.memory_space<hbm>> -> memref<1x632x128xf32, #tpu.memory_space<hbm>>
      %dma_wait3A_125 = tpu.memref_squeeze %dma_wait3A_124 : memref<1x632x128xf32, #tpu.memory_space<hbm>> -> memref<632x128xf32, #tpu.memory_space<hbm>>
      %dma_wait3A_126 = arith.constant 0 : i32
      %dma_wait3A_127 = tpu.memref_slice %arg6[%mul3A_117, %dma_wait3A_126] : memref<10112x128xf32, #tpu.memory_space<vmem_shared>> -> memref<632x128xf32, #tpu.memory_space<vmem_shared>>
      tpu.wait_dma2 semaphore(%run_scoped3A : memref<!tpu.dma_semaphore, #tpu.memory_space<semaphore_mem>>) src(%dma_wait3A_127 : memref<632x128xf32, #tpu.memory_space<vmem_shared>>) dst(%dma_wait3A_125 : memref<632x128xf32, #tpu.memory_space<hbm>>)
      tpu.yield
    }) : () -> ()
    return
  }
}

#map = affine_map<(d0, d1) -> (0)>
#map1 = affine_map<(d0, d1) -> (0, 0)>
module attributes {stable_mosaic.version = 14 : i64} {
  func.func @k(%arg0: i32, %arg1: i32, %arg2: memref<320000xi32, #tpu.memory_space<hbm>>, %arg3: memref<2x10240xf32, #tpu.memory_space<hbm>>, %arg4: memref<10240xf32, #tpu.memory_space<vmem_shared>>, %arg5: memref<10112xi32, #tpu.memory_space<vmem>>, %arg6: memref<128xf32, #tpu.memory_space<vmem>>, %arg7: memref<640xf32, #tpu.memory_space<vmem>>, %arg8: memref<!tpu.dma_semaphore, #tpu.memory_space<semaphore_mem>>, %arg9: memref<!tpu.dma_semaphore, #tpu.memory_space<semaphore_mem>>) attributes {dimension_semantics = [#tpu.dimension_semantics<core_parallel>, #tpu.dimension_semantics<subcore_parallel>], iteration_bounds = array<i64: 2, 16>, scalar_prefetch = 0 : i64, scratch_operands = 6 : i64, tpu.core_type = #tpu.core_type<sc_vector_subcore>, window_params = [{transform_indices = #map}, {transform_indices = #map1}]} {
    %mul3A = arith.constant 1250 : i32
    %mul3A_0 = arith.muli %arg0, %mul3A : i32
    %mul3A_1 = arith.constant 78 : i32
    %mul3A_2 = arith.muli %arg1, %mul3A_1 : i32
    %add3A = arith.addi %mul3A_0, %mul3A_2 : i32
    %min3A = arith.constant 2 : i32
    %min3A_3 = arith.minsi %arg1, %min3A : i32
    %add3A_4 = arith.addi %add3A, %min3A_3 : i32
    %mul3A_5 = arith.constant 128 : i32
    %mul3A_6 = arith.muli %add3A_4, %mul3A_5 : i32
    %dma_start3A = arith.constant 0 : i32
    %dma_start3A_7 = tpu.memref_slice %arg5[%dma_start3A] : memref<10112xi32, #tpu.memory_space<vmem>> -> memref<9984xi32, #tpu.memory_space<vmem>>
    %dma_start3A_8 = tpu.memref_slice %arg2[%mul3A_6] : memref<320000xi32, #tpu.memory_space<hbm>> -> memref<9984xi32, #tpu.memory_space<hbm>>
    %dma_start3A_9 = arith.constant 0 : i32
    %dma_start3A_10 = tpu.memref_slice %arg5[%dma_start3A_9] : memref<10112xi32, #tpu.memory_space<vmem>> -> memref<9984xi32, #tpu.memory_space<vmem>>
    %dma_start3A_11 = tpu.memref_slice %arg2[%mul3A_6] : memref<320000xi32, #tpu.memory_space<hbm>> -> memref<9984xi32, #tpu.memory_space<hbm>>
    tpu.enqueue_dma source(%dma_start3A_11 : memref<9984xi32, #tpu.memory_space<hbm>>) target(%dma_start3A_10 : memref<9984xi32, #tpu.memory_space<vmem>>) target_semaphore(%arg8 : memref<!tpu.dma_semaphore, #tpu.memory_space<semaphore_mem>>)
    %broadcast_in_dim3A = arith.constant 0.000000e+00 : f32
    %broadcast_in_dim3A_12 = vector.broadcast %broadcast_in_dim3A : f32 to vector<16xf32>
    %scan3A = arith.constant 0 : i32
    %scan3A_13 = arith.constant 40 : i32
    %scan3A_14 = arith.addi %scan3A, %scan3A_13 : i32
    %scan3A_15 = arith.constant 1 : i32
    scf.for %scan3A_50 = %scan3A to %scan3A_14 step %scan3A_15  : i32 {
      %mul3A_51 = arith.constant 1 : i32
      %mul3A_52 = arith.muli %scan3A_50, %mul3A_51 : i32
      %add3A_53 = arith.constant 0 : i32
      %add3A_54 = arith.addi %add3A_53, %mul3A_52 : i32
      %mul3A_55 = arith.constant 16 : i32
      %mul3A_56 = arith.muli %add3A_54, %mul3A_55 : i32
      %add3A_57 = arith.constant 0 : i32
      %add3A_58 = arith.addi %add3A_57, %mul3A_56 : i32
      %swap3A = arith.index_cast %add3A_58 : i32 to index
      %swap3A_59 = tpu.vector_load %arg7[%swap3A] {strides = array<i32>} : memref<640xf32, #tpu.memory_space<vmem>>, vector<16xf32>,
      %swap3A_60 = vector.shape_cast %swap3A_59 : vector<16xf32> to vector<16xf32>
      %swap3A_61 = vector.shape_cast %broadcast_in_dim3A_12 : vector<16xf32> to vector<16xf32>
      tpu.vector_store %arg7[%swap3A], %swap3A_61 {strides = array<i32>} : memref<640xf32, #tpu.memory_space<vmem>>, vector<16xf32>,
    }
    %scan3A_16 = arith.constant 40 : i32
    %broadcast_in_dim3A_17 = arith.constant 1.000000e+00 : f32
    %broadcast_in_dim3A_18 = vector.broadcast %broadcast_in_dim3A_17 : f32 to vector<16xf32>
    %scan3A_19 = arith.constant 0 : i32
    %scan3A_20 = arith.constant 8 : i32
    %scan3A_21 = arith.addi %scan3A_19, %scan3A_20 : i32
    %scan3A_22 = arith.constant 1 : i32
    scf.for %scan3A_50 = %scan3A_19 to %scan3A_21 step %scan3A_22  : i32 {
      %mul3A_51 = arith.constant 1 : i32
      %mul3A_52 = arith.muli %scan3A_50, %mul3A_51 : i32
      %add3A_53 = arith.constant 0 : i32
      %add3A_54 = arith.addi %add3A_53, %mul3A_52 : i32
      %mul3A_55 = arith.constant 16 : i32
      %mul3A_56 = arith.muli %add3A_54, %mul3A_55 : i32
      %add3A_57 = arith.constant 0 : i32
      %add3A_58 = arith.addi %add3A_57, %mul3A_56 : i32
      %swap3A = arith.index_cast %add3A_58 : i32 to index
      %swap3A_59 = tpu.vector_load %arg6[%swap3A] {strides = array<i32>} : memref<128xf32, #tpu.memory_space<vmem>>, vector<16xf32>,
      %swap3A_60 = vector.shape_cast %swap3A_59 : vector<16xf32> to vector<16xf32>
      %swap3A_61 = vector.shape_cast %broadcast_in_dim3A_18 : vector<16xf32> to vector<16xf32>
      tpu.vector_store %arg6[%swap3A], %swap3A_61 {strides = array<i32>} : memref<128xf32, #tpu.memory_space<vmem>>, vector<16xf32>,
    }
    %scan3A_23 = arith.constant 8 : i32
    %mul3A_24 = arith.constant 640 : i32
    %mul3A_25 = arith.muli %arg1, %mul3A_24 : i32
    "tpu.region"() ({
      %run_scoped3A = tpu.sem_alloc : memref<!tpu.dma_semaphore, #tpu.memory_space<semaphore_mem>>
      %dma_start3A_50 = tpu.memref_slice %arg4[%mul3A_25] : memref<10240xf32, #tpu.memory_space<vmem_shared>> -> memref<640xf32, #tpu.memory_space<vmem_shared>>
      %dma_start3A_51 = tpu.memref_slice %arg4[%mul3A_25] : memref<10240xf32, #tpu.memory_space<vmem_shared>> -> memref<640xf32, #tpu.memory_space<vmem_shared>>
      tpu.enqueue_dma source(%arg7 : memref<640xf32, #tpu.memory_space<vmem>>) target(%dma_start3A_51 : memref<640xf32, #tpu.memory_space<vmem_shared>>) target_semaphore(%run_scoped3A : memref<!tpu.dma_semaphore, #tpu.memory_space<semaphore_mem>>)
      %dma_wait3A_52 = tpu.memref_slice %arg4[%mul3A_25] : memref<10240xf32, #tpu.memory_space<vmem_shared>> -> memref<640xf32, #tpu.memory_space<vmem_shared>>
      %dma_wait3A_53 = tpu.memref_slice %arg4[%mul3A_25] : memref<10240xf32, #tpu.memory_space<vmem_shared>> -> memref<640xf32, #tpu.memory_space<vmem_shared>>
      tpu.wait_dma2 semaphore(%run_scoped3A : memref<!tpu.dma_semaphore, #tpu.memory_space<semaphore_mem>>) src(%arg7 : memref<640xf32, #tpu.memory_space<vmem>>) dst(%dma_wait3A_53 : memref<640xf32, #tpu.memory_space<vmem_shared>>)
      tpu.yield
    }) : () -> ()
    %lt3A = arith.constant 2 : i32
    %lt3A_26 = arith.cmpi slt, %arg1, %lt3A : i32
    %convert_element_type3A = arith.extui %lt3A_26 : i1 to i32
    %cond3A = arith.constant 0 : i32
    %cond3A_27 = arith.cmpi ne, %convert_element_type3A, %cond3A : i32
    scf.if %cond3A_27 {
      %add3A_50 = arith.constant 78 : i32
      %add3A_51 = arith.addi %add3A_4, %add3A_50 : i32
      %mul3A_52 = arith.constant 128 : i32
      %mul3A_53 = arith.muli %add3A_51, %mul3A_52 : i32
      "tpu.region"() ({
        %run_scoped3A = tpu.sem_alloc : memref<!tpu.dma_semaphore, #tpu.memory_space<semaphore_mem>>
        %dma_start3A_54 = arith.constant 9984 : i32
        %dma_start3A_55 = tpu.memref_slice %arg5[%dma_start3A_54] : memref<10112xi32, #tpu.memory_space<vmem>> -> memref<128xi32, #tpu.memory_space<vmem>>
        %dma_start3A_56 = tpu.memref_slice %arg2[%mul3A_53] : memref<320000xi32, #tpu.memory_space<hbm>> -> memref<128xi32, #tpu.memory_space<hbm>>
        %dma_start3A_57 = arith.constant 9984 : i32
        %dma_start3A_58 = tpu.memref_slice %arg5[%dma_start3A_57] : memref<10112xi32, #tpu.memory_space<vmem>> -> memref<128xi32, #tpu.memory_space<vmem>>
        %dma_start3A_59 = tpu.memref_slice %arg2[%mul3A_53] : memref<320000xi32, #tpu.memory_space<hbm>> -> memref<128xi32, #tpu.memory_space<hbm>>
        tpu.enqueue_dma source(%dma_start3A_59 : memref<128xi32, #tpu.memory_space<hbm>>) target(%dma_start3A_58 : memref<128xi32, #tpu.memory_space<vmem>>) target_semaphore(%run_scoped3A : memref<!tpu.dma_semaphore, #tpu.memory_space<semaphore_mem>>)
        %dma_wait3A_60 = arith.constant 9984 : i32
        %dma_wait3A_61 = tpu.memref_slice %arg5[%dma_wait3A_60] : memref<10112xi32, #tpu.memory_space<vmem>> -> memref<128xi32, #tpu.memory_space<vmem>>
        %dma_wait3A_62 = tpu.memref_slice %arg2[%mul3A_53] : memref<320000xi32, #tpu.memory_space<hbm>> -> memref<128xi32, #tpu.memory_space<hbm>>
        %dma_wait3A_63 = arith.constant 9984 : i32
        %dma_wait3A_64 = tpu.memref_slice %arg5[%dma_wait3A_63] : memref<10112xi32, #tpu.memory_space<vmem>> -> memref<128xi32, #tpu.memory_space<vmem>>
        %dma_wait3A_65 = tpu.memref_slice %arg2[%mul3A_53] : memref<320000xi32, #tpu.memory_space<hbm>> -> memref<128xi32, #tpu.memory_space<hbm>>
        tpu.wait_dma2 semaphore(%run_scoped3A : memref<!tpu.dma_semaphore, #tpu.memory_space<semaphore_mem>>) src(%dma_wait3A_65 : memref<128xi32, #tpu.memory_space<hbm>>) dst(%dma_wait3A_64 : memref<128xi32, #tpu.memory_space<vmem>>)
        tpu.yield
      }) : () -> ()
    } else {
    }
    %ge3A = arith.constant 2 : i32
    %ge3A_28 = arith.cmpi sge, %arg1, %ge3A : i32
    %convert_element_type3A_29 = arith.extui %ge3A_28 : i1 to i32
    %cond3A_30 = arith.constant 0 : i32
    %cond3A_31 = arith.cmpi ne, %convert_element_type3A_29, %cond3A_30 : i32
    scf.if %cond3A_31 {
      %add3A_50 = arith.constant 10000 : i32
      %add3A_51 = arith.addi %add3A_50, %arg1 : i32
      %broadcast_in_dim3A_52 = vector.broadcast %add3A_51 : i32 to vector<16xi32>
      %scan3A_53 = arith.constant 0 : i32
      %scan3A_54 = arith.constant 8 : i32
      %scan3A_55 = arith.addi %scan3A_53, %scan3A_54 : i32
      %scan3A_56 = arith.constant 1 : i32
      scf.for %scan3A_58 = %scan3A_53 to %scan3A_55 step %scan3A_56  : i32 {
        %mul3A_59 = arith.constant 1 : i32
        %mul3A_60 = arith.muli %scan3A_58, %mul3A_59 : i32
        %add3A_61 = arith.constant 0 : i32
        %add3A_62 = arith.addi %add3A_61, %mul3A_60 : i32
        %mul3A_63 = arith.constant 16 : i32
        %mul3A_64 = arith.muli %add3A_62, %mul3A_63 : i32
        %add3A_65 = arith.constant 9984 : i32
        %add3A_66 = arith.addi %add3A_65, %mul3A_64 : i32
        %swap3A = arith.index_cast %add3A_66 : i32 to index
        %swap3A_67 = tpu.vector_load %arg5[%swap3A] {strides = array<i32>} : memref<10112xi32, #tpu.memory_space<vmem>>, vector<16xi32>,
        %swap3A_68 = vector.shape_cast %swap3A_67 : vector<16xi32> to vector<16xi32>
        %swap3A_69 = vector.shape_cast %broadcast_in_dim3A_52 : vector<16xi32> to vector<16xi32>
        tpu.vector_store %arg5[%swap3A], %swap3A_69 {strides = array<i32>} : memref<10112xi32, #tpu.memory_space<vmem>>, vector<16xi32>,
      }
      %scan3A_57 = arith.constant 8 : i32
    } else {
    }
    %dma_wait3A = arith.constant 0 : i32
    %dma_wait3A_32 = tpu.memref_slice %arg5[%dma_wait3A] : memref<10112xi32, #tpu.memory_space<vmem>> -> memref<9984xi32, #tpu.memory_space<vmem>>
    %dma_wait3A_33 = arith.constant 0 : i32
    %dma_wait3A_34 = tpu.memref_slice %arg2[%dma_wait3A_33] : memref<320000xi32, #tpu.memory_space<hbm>> -> memref<9984xi32, #tpu.memory_space<hbm>>
    %dma_wait3A_35 = arith.constant 0 : i32
    %dma_wait3A_36 = tpu.memref_slice %arg5[%dma_wait3A_35] : memref<10112xi32, #tpu.memory_space<vmem>> -> memref<9984xi32, #tpu.memory_space<vmem>>
    %dma_wait3A_37 = arith.constant 0 : i32
    %dma_wait3A_38 = tpu.memref_slice %arg2[%dma_wait3A_37] : memref<320000xi32, #tpu.memory_space<hbm>> -> memref<9984xi32, #tpu.memory_space<hbm>>
    tpu.wait_dma2 semaphore(%arg8 : memref<!tpu.dma_semaphore, #tpu.memory_space<semaphore_mem>>) src(%dma_wait3A_38 : memref<9984xi32, #tpu.memory_space<hbm>>) dst(%dma_wait3A_36 : memref<9984xi32, #tpu.memory_space<vmem>>)
    %barrier3A = arith.constant 0 : index
    tpu.barrier barrier_id(%barrier3A)
    %scan3A_39 = arith.constant 0 : i32
    %scan3A_40 = arith.constant 79 : i32
    %scan3A_41 = arith.addi %scan3A_39, %scan3A_40 : i32
    %scan3A_42 = arith.constant 1 : i32
    scf.for %scan3A_50 = %scan3A_39 to %scan3A_41 step %scan3A_42  : i32 {
      %mul3A_51 = arith.constant 1 : i32
      %mul3A_52 = arith.muli %scan3A_50, %mul3A_51 : i32
      %add3A_53 = arith.constant 0 : i32
      %add3A_54 = arith.addi %add3A_53, %mul3A_52 : i32
      %mul3A_55 = arith.constant 128 : i32
      %mul3A_56 = arith.muli %add3A_54, %mul3A_55 : i32
      %dma_start3A_57 = tpu.memref_slice %arg5[%mul3A_56] : memref<10112xi32, #tpu.memory_space<vmem>> -> memref<128xi32, #tpu.memory_space<vmem>>
      %dma_start3A_58 = arith.constant 0 : i32
      %dma_start3A_59 = tpu.memref_slice %arg4[%dma_start3A_58] : memref<10240xf32, #tpu.memory_space<vmem_shared>> -> memref<10240xf32, #tpu.memory_space<vmem_shared>>
      tpu.enqueue_indirect_dma source(%arg6 : memref<128xf32, #tpu.memory_space<vmem>>) target(%dma_start3A_59 : memref<10240xf32, #tpu.memory_space<vmem_shared>>) offsets(%dma_start3A_57 : memref<128xi32, #tpu.memory_space<vmem>>) semaphore(%arg9 : memref<!tpu.dma_semaphore, #tpu.memory_space<semaphore_mem>>) {add = true}
    }
    %scan3A_43 = arith.constant 79 : i32
    %scan3A_44 = arith.constant 0 : i32
    %scan3A_45 = arith.constant 79 : i32
    %scan3A_46 = arith.addi %scan3A_44, %scan3A_45 : i32
    %scan3A_47 = arith.constant 1 : i32
    scf.for %scan3A_50 = %scan3A_44 to %scan3A_46 step %scan3A_47  : i32 {
      %mul3A_51 = arith.constant 1 : i32
      %mul3A_52 = arith.muli %scan3A_50, %mul3A_51 : i32
      %add3A_53 = arith.constant 0 : i32
      %add3A_54 = arith.addi %add3A_53, %mul3A_52 : i32
      %dma_wait3A_55 = arith.constant 0 : i32
      %dma_wait3A_56 = tpu.memref_slice %arg5[%dma_wait3A_55] : memref<10112xi32, #tpu.memory_space<vmem>> -> memref<128xi32, #tpu.memory_space<vmem>>
      %dma_wait3A_57 = arith.constant 0 : i32
      %dma_wait3A_58 = tpu.memref_slice %arg4[%dma_wait3A_57] : memref<10240xf32, #tpu.memory_space<vmem_shared>> -> memref<10240xf32, #tpu.memory_space<vmem_shared>>
      tpu.wait_indirect_dma semaphore(%arg9 : memref<!tpu.dma_semaphore, #tpu.memory_space<semaphore_mem>>) src(%arg6 : memref<128xf32, #tpu.memory_space<vmem>>) dst(%dma_wait3A_58 : memref<10240xf32, #tpu.memory_space<vmem_shared>>)
    }
    %scan3A_48 = arith.constant 79 : i32
    %barrier3A_49 = arith.constant 0 : index
    tpu.barrier barrier_id(%barrier3A_49)
    "tpu.region"() ({
      %run_scoped3A = tpu.sem_alloc : memref<!tpu.dma_semaphore, #tpu.memory_space<semaphore_mem>>
      %dma_start3A_50 = tpu.memref_slice %arg3[%arg0, %mul3A_25] : memref<2x10240xf32, #tpu.memory_space<hbm>> -> memref<1x640xf32, #tpu.memory_space<hbm>>
      %dma_start3A_51 = tpu.memref_squeeze %dma_start3A_50 : memref<1x640xf32, #tpu.memory_space<hbm>> -> memref<640xf32, #tpu.memory_space<hbm>>
      %dma_start3A_52 = tpu.memref_slice %arg4[%mul3A_25] : memref<10240xf32, #tpu.memory_space<vmem_shared>> -> memref<640xf32, #tpu.memory_space<vmem_shared>>
      tpu.enqueue_dma source(%dma_start3A_52 : memref<640xf32, #tpu.memory_space<vmem_shared>>) target(%dma_start3A_51 : memref<640xf32, #tpu.memory_space<hbm>>) target_semaphore(%run_scoped3A : memref<!tpu.dma_semaphore, #tpu.memory_space<semaphore_mem>>)
      %dma_wait3A_53 = tpu.memref_slice %arg3[%arg0, %mul3A_25] : memref<2x10240xf32, #tpu.memory_space<hbm>> -> memref<1x640xf32, #tpu.memory_space<hbm>>
      %dma_wait3A_54 = tpu.memref_squeeze %dma_wait3A_53 : memref<1x640xf32, #tpu.memory_space<hbm>> -> memref<640xf32, #tpu.memory_space<hbm>>
      %dma_wait3A_55 = tpu.memref_slice %arg4[%mul3A_25] : memref<10240xf32, #tpu.memory_space<vmem_shared>> -> memref<640xf32, #tpu.memory_space<vmem_shared>>
      tpu.wait_dma2 semaphore(%run_scoped3A : memref<!tpu.dma_semaphore, #tpu.memory_space<semaphore_mem>>) src(%dma_wait3A_55 : memref<640xf32, #tpu.memory_space<vmem_shared>>) dst(%dma_wait3A_54 : memref<640xf32, #tpu.memory_space<hbm>>)
      tpu.yield
    }) : () -> ()
    return
  }
}

module attributes {stable_mosaic.version = 14 : i64} {
  func.func @body(%arg0: i32, %arg1: memref<2x1000x128xf32, #tpu.memory_space<vmem>>, %arg2: memref<1000x1xf32, #tpu.memory_space<vmem>>, %arg3: memref<1000x128xf32, #tpu.memory_space<vmem>>) attributes {dimension_semantics = [#tpu.dimension_semantics<arbitrary>], iteration_bounds = array<i64: 10>, scalar_prefetch = 0 : i64, scratch_operands = 0 : i64, tpu.core_type = #tpu.core_type<tc>, window_params = [{transform_indices = @transform_0, window_bounds = array<i64: 2, 1000, 128>}, {transform_indices = @transform_1, window_bounds = array<i64: 1000, 1>}, {transform_indices = @transform_2, window_bounds = array<i64: 1000, 128>}]} {
    %get3A = arith.constant 0 : index
    %get3A_0 = arith.constant 0 : index
    %get3A_1 = arith.constant 0 : index
    %get3A_2 = vector.load %arg1[%get3A, %get3A_0, %get3A_1] : memref<2x1000x128xf32, #tpu.memory_space<vmem>>, vector<1x1000x128xf32>
    %get3A_3 = vector.shape_cast %get3A_2 : vector<1x1000x128xf32> to vector<1000x128xf32>
    %get3A_4 = arith.constant 1 : index
    %get3A_5 = arith.constant 0 : index
    %get3A_6 = arith.constant 0 : index
    %get3A_7 = vector.load %arg1[%get3A_4, %get3A_5, %get3A_6] : memref<2x1000x128xf32, #tpu.memory_space<vmem>>, vector<1x1000x128xf32>
    %get3A_8 = vector.shape_cast %get3A_7 : vector<1x1000x128xf32> to vector<1000x128xf32>
    %add3A = arith.addf %get3A_3, %get3A_8 : vector<1000x128xf32>
    %get3A_9 = arith.constant 0 : index
    %get3A_10 = arith.constant 0 : index
    %get3A_11 = vector.load %arg2[%get3A_9, %get3A_10] : memref<1000x1xf32, #tpu.memory_space<vmem>>, vector<1000x1xf32>
    %mul3A = vector.broadcast %get3A_11 : vector<1000x1xf32> to vector<1000x128xf32>
    %mul3A_12 = arith.mulf %add3A, %mul3A : vector<1000x128xf32>
    %swap3A = arith.constant 0 : index
    %swap3A_13 = arith.constant 0 : index
    %swap3A_14 = vector.load %arg3[%swap3A, %swap3A_13] : memref<1000x128xf32, #tpu.memory_space<vmem>>, vector<1000x128xf32>
    tpu.vector_store %arg3[%swap3A, %swap3A_13], %mul3A_12 {strides = array<i32>} : memref<1000x128xf32, #tpu.memory_space<vmem>>, vector<1000x128xf32>,
    return
  }
  func.func @transform_0(%arg0: i32) -> (i32, i32, i32) {
    %c0_i32 = arith.constant 0 : i32
    %c0_i32_0 = arith.constant 0 : i32
    %c0_i32_1 = arith.constant 0 : i32
    return %c0_i32, %arg0, %c0_i32_0 : i32, i32, i32
  }
  func.func @transform_1(%arg0: i32) -> (i32, i32) {
    %c0_i32 = arith.constant 0 : i32
    %c0_i32_0 = arith.constant 0 : i32
    return %arg0, %c0_i32 : i32, i32
  }
  func.func @transform_2(%arg0: i32) -> (i32, i32) {
    %c0_i32 = arith.constant 0 : i32
    %c0_i32_0 = arith.constant 0 : i32
    return %arg0, %c0_i32 : i32, i32
  }
}

module attributes {stable_mosaic.version = 14 : i64} {
  func.func @body(%arg0: i32, %arg1: memref<1000x128xf32, #tpu.memory_space<vmem>>, %arg2: memref<128x128xf32, #tpu.memory_space<vmem>>, %arg3: memref<1x128xf32, #tpu.memory_space<vmem>>, %arg4: memref<2x1000x1xf32, #tpu.memory_space<vmem>>, %arg5: memref<1000x128xf32, #tpu.memory_space<vmem>>, %arg6: memref<1000x1xf32, #tpu.memory_space<vmem>>) attributes {dimension_semantics = [#tpu.dimension_semantics<arbitrary>], iteration_bounds = array<i64: 10>, scalar_prefetch = 0 : i64, scratch_operands = 0 : i64, tpu.core_type = #tpu.core_type<tc>, window_params = [{transform_indices = @transform_0, window_bounds = array<i64: 1000, 128>}, {pipeline_mode = #tpu.pipeline_mode<synchronous>, transform_indices = @transform_1, window_bounds = array<i64: 128, 128>}, {pipeline_mode = #tpu.pipeline_mode<synchronous>, transform_indices = @transform_2, window_bounds = array<i64: 1, 128>}, {transform_indices = @transform_3, window_bounds = array<i64: 2, 1000, 1>}, {transform_indices = @transform_4, window_bounds = array<i64: 1000, 128>}, {transform_indices = @transform_5, window_bounds = array<i64: 1000, 1>}]} {
    %get3A = arith.constant 0 : index
    %get3A_0 = arith.constant 0 : index
    %get3A_1 = vector.load %arg1[%get3A, %get3A_0] : memref<1000x128xf32, #tpu.memory_space<vmem>>, vector<1000x128xf32>
    %get3A_2 = arith.constant 0 : index
    %get3A_3 = arith.constant 0 : index
    %get3A_4 = vector.load %arg2[%get3A_2, %get3A_3] : memref<128x128xf32, #tpu.memory_space<vmem>>, vector<128x128xf32>
    %dot_general3A = arith.constant dense<0.000000e+00> : vector<1000x128xf32>
    %dot_general3A_5 = tpu.matmul %get3A_1, %get3A_4, %dot_general3A {dimension_numbers = #tpu.dot_dimension_numbers<[1], [1], [0], [0], [0, 0, 1, 0], [], []>, transpose_lhs_hint = false} : vector<1000x128xf32>, vector<128x128xf32>, vector<1000x128xf32> -> vector<1000x128xf32>
    %get3A_6 = arith.constant 0 : index
    %get3A_7 = arith.constant 0 : index
    %get3A_8 = vector.load %arg3[%get3A_6, %get3A_7] : memref<1x128xf32, #tpu.memory_space<vmem>>, vector<1x128xf32>
    %add3A = vector.broadcast %get3A_8 : vector<1x128xf32> to vector<1000x128xf32>
    %add3A_9 = arith.addf %dot_general3A_5, %add3A : vector<1000x128xf32>
    %get3A_10 = arith.constant 0 : index
    %get3A_11 = arith.constant 0 : index
    %get3A_12 = arith.constant 0 : index
    %get3A_13 = vector.load %arg4[%get3A_10, %get3A_11, %get3A_12] : memref<2x1000x1xf32, #tpu.memory_space<vmem>>, vector<1x1000x1xf32>
    %get3A_14 = vector.shape_cast %get3A_13 : vector<1x1000x1xf32> to vector<1000x1xf32>
    %get3A_15 = arith.constant 1 : index
    %get3A_16 = arith.constant 0 : index
    %get3A_17 = arith.constant 0 : index
    %get3A_18 = vector.load %arg4[%get3A_15, %get3A_16, %get3A_17] : memref<2x1000x1xf32, #tpu.memory_space<vmem>>, vector<1x1000x1xf32>
    %get3A_19 = vector.shape_cast %get3A_18 : vector<1x1000x1xf32> to vector<1000x1xf32>
    %add3A_20 = arith.addf %get3A_14, %get3A_19 : vector<1000x1xf32>
    %gt3A = arith.constant 0.000000e+00 : f32
    %gt3A_21 = vector.broadcast %gt3A : f32 to vector<1000x1xf32>
    %gt3A_22 = arith.cmpf ogt, %add3A_20, %gt3A_21 : vector<1000x1xf32>
    %rsqrt3A = math.rsqrt %add3A_20 : vector<1000x1xf32>
    %broadcast_in_dim3A = arith.constant 0.000000e+00 : f32
    %broadcast_in_dim3A_23 = vector.broadcast %broadcast_in_dim3A : f32 to vector<1000x1xf32>
    %select_n3A = arith.select %gt3A_22, %rsqrt3A, %broadcast_in_dim3A_23 : vector<1000x1xi1>, vector<1000x1xf32>
    %swap3A = arith.constant 0 : index
    %swap3A_24 = arith.constant 0 : index
    %swap3A_25 = vector.load %arg6[%swap3A, %swap3A_24] : memref<1000x1xf32, #tpu.memory_space<vmem>>, vector<1000x1xf32>
    tpu.vector_store %arg6[%swap3A, %swap3A_24], %select_n3A {strides = array<i32>} : memref<1000x1xf32, #tpu.memory_space<vmem>>, vector<1000x1xf32>,
    %mul3A = vector.broadcast %select_n3A : vector<1000x1xf32> to vector<1000x128xf32>
    %mul3A_26 = arith.mulf %add3A_9, %mul3A : vector<1000x128xf32>
    %swap3A_27 = arith.constant 0 : index
    %swap3A_28 = arith.constant 0 : index
    %swap3A_29 = vector.load %arg5[%swap3A_27, %swap3A_28] : memref<1000x128xf32, #tpu.memory_space<vmem>>, vector<1000x128xf32>
    tpu.vector_store %arg5[%swap3A_27, %swap3A_28], %mul3A_26 {strides = array<i32>} : memref<1000x128xf32, #tpu.memory_space<vmem>>, vector<1000x128xf32>,
    return
  }
  func.func @transform_0(%arg0: i32) -> (i32, i32) {
    %c0_i32 = arith.constant 0 : i32
    %c0_i32_0 = arith.constant 0 : i32
    return %arg0, %c0_i32 : i32, i32
  }
  func.func @transform_1(%arg0: i32) -> (i32, i32) {
    %c0_i32 = arith.constant 0 : i32
    %c0_i32_0 = arith.constant 0 : i32
    %c0_i32_1 = arith.constant 0 : i32
    return %c0_i32, %c0_i32_0 : i32, i32
  }
  func.func @transform_2(%arg0: i32) -> (i32, i32) {
    %c0_i32 = arith.constant 0 : i32
    %c0_i32_0 = arith.constant 0 : i32
    %c0_i32_1 = arith.constant 0 : i32
    return %c0_i32, %c0_i32_0 : i32, i32
  }
  func.func @transform_3(%arg0: i32) -> (i32, i32, i32) {
    %c0_i32 = arith.constant 0 : i32
    %c0_i32_0 = arith.constant 0 : i32
    %c0_i32_1 = arith.constant 0 : i32
    return %c0_i32, %arg0, %c0_i32_0 : i32, i32, i32
  }
  func.func @transform_4(%arg0: i32) -> (i32, i32) {
    %c0_i32 = arith.constant 0 : i32
    %c0_i32_0 = arith.constant 0 : i32
    return %arg0, %c0_i32 : i32, i32
  }
  func.func @transform_5(%arg0: i32) -> (i32, i32) {
    %c0_i32 = arith.constant 0 : i32
    %c0_i32_0 = arith.constant 0 : i32
    return %arg0, %c0_i32 : i32, i32
  }
}

</mosaic_0001>

<sc_bundles>
// kernel: kernel.6.cloned.1.call-start
scs
__scs_entry_jumppad:
0x0: {  	(pc) =	sbr.rel $0x88, $3  }
0x1: {  	(tag) =	ssettag $0x0;
	lr =	simm.s32 $0x1  }
0x2: {  	[smem:$0x3F9D] =	sst lr;
	_ =	strace $0xD0000000  }
0x3: {  	_ = 	snop  }
0x4: {  	_ = 	snop  }
0x5: {  	_ = 	snop  }
0x6: {  	_ = 	snop  }
0x7: {  	_ = 	snop  }
__scs_overlays_trampoline_lowered:
0x8: {  	[smem:$0x3FAC] =	sst s0  }
0x9: {  	[smem:$0x3FAD] =	sst s1  }
0xa: {  	[smem:$0x3FAE] =	sst s2  }
0xb: {  	[smem:$0x3FAF] =	sst s3  }
0xc: {  	[smem:$0x3FB0] =	sst s4  }
0xd: {  	[smem:$0x3FB1] =	sst s5  }
0xe: {  	[smem:$0x3FB2] =	sst s6  }
0xf: {  	[smem:$0x3FB3] =	sst s7  }
0x10: {  	[smem:$0x3FB4] =	sst s8  }
0x11: {  	[smem:$0x3FB5] =	sst s9;
	s0 =	simm.s32 @!p0 $0x0  }
0x12: {  	s1 =	sld [smem:$0x3F9B];
	s0 =	simm.s32 @p0 $0x1  }
0x13: {  	[smem:$0x3FB6] =	sst s0;
	s0 =	simm.s32 @!p1 $0x0  }
0x14: {  	s2 =	sld [smem:$0x3F9A];
	s0 =	simm.s32 @p1 $0x1  }
0x15: {  	[smem:$0x3FB7] =	sst s0;
	s0 =	simm.s32 @!p2 $0x0  }
0x16: {  	s3 =	sld [smem:$0x3FDB];
	s0 =	simm.s32 @p2 $0x1  }
0x17: {  	s4 =	simm.s32 $0x1BF5;
	[smem:$0x3FB9] =	sst s0  }
0x18: {  	s0 =	sld [smem:$0x3F9C];
	_ =	swait.ge [sflag:s4], $0x0  }
0x19: {  	s7 =	sld [smem:$0x3F9D]  }
0x1a: {  	s8 =	sadd.s32 $0xFFFFE003, lr  }
0x1b: {  	s9 =	sadd.s32 $0xFFFFFEF7, lr;
	s5 =	simm.s32 $0xFFFFFFFF;
	p2 =	slt.u32 s8, $0xFFFFF086  }
0x1c: {  	p1 =	slt.u32 s9, $0xF7A;
	s5 =	simm.s32 @!p2 $0x0  }
0x1d: {  	s5 =	simm.s32 @p1 $0x1;
	p0 =	seq.s32 s7, s2  }
0x1e: {  	s7 =	smul.u32 @!p0 $0xF7A, s2;
	p2 =	seq.s32 @!p0 s5, $0x0  }
0x1f: {  	s9 =	smul.u32 $0xF7A, s1;
	s8 =	simm.s32 @!p0 $0x1BF5;
	p2 =	por !p2, p0  }
0x20: {  	[sflag:s8] =	ssyncset.s32 @!p0 $0xFFFFF086;
	s6 =	sadd.s32 @!p0 s3, s7;
	s7 =	simm.s32 @!p0 $0x108  }
0x21: {  	s3 =	sadd.s32 s3, s9;
	s6 =	sadd.s32 @!p0 $0x88, s6;
	s7 =	simm.s32 @p2 $0x1082  }
0x22: {  	[simem:s7], [sflag:s8] =	dma.local @!p0 [hbm:s6], $0xF7A  }
0x23: {  	s9 =	sor.u32 $0xD0000000, s2;
	s6 =	simm.s32 $0x108;
	_ =	swait.ge @!p0 [sflag:s8], $0x0  }
0x24: {  	s3 =	sadd.s32 $0x88, s3;
	s6 =	simm.s32 @!p1 $0x1082;
	[sflag:s4] =	ssyncset.s32 $0xFFFFF086  }
0x25: {  	[simem:s6], [sflag:s4] =	dma.local [hbm:s3], $0xF7A  }
0x26: {  	[smem:$0x3F9D] =	sst s1;
	(tag) =	ssettag s2;
	_ =	strace s9  }
0x27: {  	s1 =	sld [smem:$0x3FAD]  }
0x28: {  	s2 =	sld [smem:$0x3FAE]  }
0x29: {  	s4 =	sld [smem:$0x3FB0]  }
0x2a: {  	p0 =	seq.s32 s5, $0x0;
	s5 =	sld [smem:$0x3FB1]  }
0x2b: {  	s6 =	sld [smem:$0x3FB2]  }
0x2c: {  	s7 =	sld [smem:$0x3FB3]  }
0x2d: {  	s3 =	simm.s32 $0x108;
	s8 =	sld [smem:$0x3FB4]  }
0x2e: {  	s3 =	simm.s32 @!p0 $0x1082;
	s9 =	sld [smem:$0x3FB5]  }
0x2f: {  	lr =	sadd.s32 s0, s3;
	s0 =	sld [smem:$0x3FAC]  }
0x30: {  	s3 =	sld [smem:$0x3FAF]  }
0x31: {  	[smem:$0x3FB8] =	sst s10  }
0x32: {  	s10 =	sld [smem:$0x3FB6];
	_ =	sdelay $0x3  }
0x33: {  	p0 =	seq.s32 s10, $0x1;
	s10 =	sld [smem:$0x3FB8];
	_ =	sdelay $0x3  }
0x34: {  	[smem:$0x3FB8] =	sst s10  }
0x35: {  	s10 =	sld [smem:$0x3FB7];
	_ =	sdelay $0x3  }
0x36: {  	p1 =	seq.s32 s10, $0x1;
	s10 =	sld [smem:$0x3FB8];
	_ =	sdelay $0x3  }
0x37: {  	[smem:$0x3FB8] =	sst s10  }
0x38: {  	s10 =	sld [smem:$0x3FB9]  }
0x39: {  	_ = 	snop;
	(pc) =	sbr.ind lr, $3  }
0x3a: {  	_ = 	snop  }
0x3b: {  	_ = 	snop  }
0x3c: {  	p2 =	seq.s32 s10, $0x1;
	s10 =	sld [smem:$0x3FB8]  }
0x3d: {  	_ =	shalt  }
0x3e: {  	_ =	shalt  }
0x3f: {  	_ =	shalt  }
0x40: {  	_ =	shalt  }
0x41: {  	_ =	shalt  }
0x42: {  	_ =	shalt  }
0x43: {  	_ =	shalt  }
0x44: {  	_ =	shalt  }
0x45: {  	_ =	shalt  }
0x46: {  	_ =	shalt  }
0x47: {  	_ =	shalt  }
0x48: {  	_ =	shalt  }
0x49: {  	_ =	shalt  }
0x4a: {  	_ =	shalt  }
0x4b: {  	_ =	shalt  }
0x4c: {  	_ =	shalt  }
0x4d: {  	_ =	shalt  }
0x4e: {  	_ =	shalt  }
0x4f: {  	_ =	shalt  }
0x50: {  	_ =	shalt  }
0x51: {  	_ =	shalt  }
0x52: {  	_ =	shalt  }
0x53: {  	_ =	shalt  }
0x54: {  	_ =	shalt  }
0x55: {  	_ =	shalt  }
0x56: {  	_ =	shalt  }
0x57: {  	_ =	shalt  }
0x58: {  	_ =	shalt  }
0x59: {  	_ =	shalt  }
0x5a: {  	_ =	shalt  }
0x5b: {  	_ =	shalt  }
0x5c: {  	_ =	shalt  }
0x5d: {  	_ =	shalt  }
0x5e: {  	_ =	shalt  }
0x5f: {  	_ =	shalt  }
0x60: {  	_ =	shalt  }
0x61: {  	_ =	shalt  }
0x62: {  	_ =	shalt  }
0x63: {  	_ =	shalt  }
0x64: {  	_ =	shalt  }
0x65: {  	_ =	shalt  }
0x66: {  	_ =	shalt  }
0x67: {  	_ =	shalt  }
0x68: {  	_ =	shalt  }
0x69: {  	_ =	shalt  }
0x6a: {  	_ =	shalt  }
0x6b: {  	_ =	shalt  }
0x6c: {  	_ =	shalt  }
0x6d: {  	_ =	shalt  }
0x6e: {  	_ =	shalt  }
0x6f: {  	_ =	shalt  }
0x70: {  	_ =	shalt  }
0x71: {  	_ =	shalt  }
0x72: {  	_ =	shalt  }
0x73: {  	_ =	shalt  }
0x74: {  	_ =	shalt  }
0x75: {  	_ =	shalt  }
0x76: {  	_ =	shalt  }
0x77: {  	_ =	shalt  }
0x78: {  	_ =	shalt  }
0x79: {  	_ =	shalt  }
0x7a: {  	_ =	shalt  }
0x7b: {  	_ =	shalt  }
0x7c: {  	_ =	shalt  }
0x7d: {  	_ =	shalt  }
0x7e: {  	_ =	shalt  }
0x7f: {  	_ =	shalt  }
0x80: {  	_ =	shalt  }
0x81: {  	_ =	shalt  }
0x82: {  	_ =	shalt  }
0x83: {  	_ =	shalt  }
0x84: {  	_ =	shalt  }
0x85: {  	_ =	shalt  }
0x86: {  	_ =	shalt  }
0x87: {  	_ =	shalt  }
.Lfunc_end0:
.L_simem_size_0:
called_computation_lowered:
.L_overlay_start_0:
0x88: {  	s2 =	sld [smem:$0x3FD9]  }
0x89: {  	s3 =	sld [smem:$0x3FFE];
	_ =	sdelay $0x1  }
0x8a: {  	s1 =	srdreg.scid  }
0x8b: {  	s0 =	sand.u32 $0x1, s1  }
0x8c: {  	s17 =	sshll.u32 s0, $0xA;
	s2 =	sadd.s32 s3, s2  }
0x8d: {  	s2 =	sadd.s32 s2, s17  }
0x8e: {  	[smem:$0x3FC4] =	sst s2  }
0x8f: {  	_ = 	snop  }
0x90: {  	s2 =	sld [smem:$0x3FD0];
	(tm) =	ssettm $0x1  }
0x91: {  	s18 =	sld [smem:$0x3FFB];
	_ =	sdelay $0x3  }
0x92: {  	_ =	strace s18  }
0x93: {  	s3 =	sld [smem:$0x3FFC];
	_ =	sdelay $0x3  }
0x94: {  	_ =	strace s3  }
0x95: {  	s3 =	sld [smem:$0x3FFD];
	_ =	sdelay $0x3  }
0x96: {  	_ =	strace s3  }
0x97: {  	_ =	strace $0x8FFFFFFF  }
0x98: {  	s19 =	sld [smem:$0x3FDB];
	_ =	sdelay $0x1  }
0x99: {  	s4 =	simm.s32 $_scs_section_size  }
0x9a: {  	s5 =	simm.s32 $_size__tile_overlayer_lowered;
	s6 =	simm.s32 $_tile_overlayer_lowered  }
0x9b: {  	s22 =	simm.s32 $0x1BFF;
	s21 =	sshll.u32 s6, $0x1;
	s3 =	sadd.s32 s4, s19  }
0x9c: {  	s7 =	simm.s32 $0x0;
	s20 =	sshll.u32 s5, $0x1;
	s5 =	sadd.s32 s21, s3  }
0x9d: {  	[timem:s7], [sflag:s22] =	dma.local [hbm:s5], s20  }
0x9e: {  	_ =	swait.ge [sflag:s22], s20  }
0x9f: {  	s4 =	ssub.s32 $0x0, s20;
	[sflag:s22] =	ssyncset.done $0x0  }
0xa0: {  	[sflag:s22] =	ssyncadd.s32 s4;
	_ =	sdelay $0x1  }
0xa1: {  	s23 =	simm.s32 $0x1B8B  }
0xa2: {  	_ =	swait.ge [sflag:s23], $0x1  }
0xa3: {  	[sflag:s23] =	ssyncset.done $0x0  }
0xa4: {  	s25 =	simm.s32 $0x1B8E;
	s24 =	sld [smem:$0x3FFE];
	[sflag:s23] =	ssyncadd.s32 $0xFFFFFFFF  }
0xa5: {  	s26 =	simm.s32 $execute0_lowered;
	[smem:$0x3FD2] =	sst s25  }
0xa6: {  	s5 =	sshll.u32 s26, $0x1;
	_ =	strace $0x80000046;
	[dreg:$0x1] =	wrdreg $0xFFFFFFFF  }
0xa7: {  	s28 =	simm.s32 $_size_execute0_lowered;
	s3 =	sadd.s32 s3, s5;
	[dreg:$0x0] =	wrdreg $0x0  }
0xa8: {  	s5 =	sshll.u32 s28, $0x1;
	[dreg:$0x2] =	wrdreg s3  }
0xa9: {  	[dreg:$0x3] =	wrdreg s5  }
0xaa: {  	[dreg:$0x4] =	wrdreg $0xC0  }
0xab: {  	_ =	task [dreg:s7], $0x5FFFF  }
0xac: {  	[dreg:$0x1] =	wrdreg $0xFFFFFFFF  }
0xad: {  	[dreg:$0x0] =	wrdreg $0x60  }
0xae: {  	[dreg:$0x2] =	wrdreg s24  }
0xaf: {  	[dreg:$0x3] =	wrdreg s2  }
0xb0: {  	[dreg:$0x4] =	wrdreg $0x0  }
0xb1: {  	[dreg:$0x5] =	wrdreg $0x9  }
0xb2: {  	_ =	task.clear_ibuf [dreg:s7], $0x6FFFF;
	_ =	strace $0x90000046  }
0xb3: {  	s29 =	simm.s32 $0x9;
	_ =	strace $0x80000048  }
0xb4: {  	_ =	swait.ge [sflag:s29], $0x1  }
0xb5: {  	[sflag:s29] =	ssyncadd.s32 $0xFFFFFFFF  }
0xb6: {  	_ =	strace $0x90000048  }
0xb7: {  	_ =	sfence  }
0xb8: {  	s30 =	sld [smem:$0x0];
	_ =	sdelay $0x2  }
0xb9: {  	s31 =	sshll.u32 s1, $0xD;
	s1 =	sshrl.u32 s1, $0x2  }
0xba: {  	s3 =	sand.u32 $0x4000, s31;
	s1 =	sadd.s32 s1, s30  }
0xbb: {  	s0 =	sor.u32 s3, s0;
	s1 =	sshll.u32 s1, $0x11  }
0xbc: {  	s0 =	sor.u32 s1, s0  }
0xbd: {  	s0 =	sadd.s32 $0x8F2B, s0  }
0xbe: {  	[sflag:s0] =	ssyncadd.remote.s32 $0x1  }
0xbf: {  	_ =	sfence.sel $0xFFFF  }
0xc0: {  	[dreg:$0x0] =	wrdreg $0xFFFFFFFF;
	(pc) =	sbr.abs _section_cstart, $3  }
0xc1: {  	[dreg:$0x1] =	wrdreg $0xFFFFFFFF  }
0xc2: {  	_ =	task.clear_ibuf [dreg:s7], $0x2FFFF;
	_ =	strace $0x9FFFFFFF  }
0xc3: {  	(tm) =	ssettm $0x7FFFFFFF  }
tec
execute0_lowered:
.L_overlay_start_1:
0x0: {  	(tag) =	ssettag $0x1  }
0x1: {  	s4 =	rddreg [dreg:$0x0]  }
0x2: {  	s7 =	rddreg [dreg:$0x1]  }
0x3: {  	s0 =	srdreg.scid;
	s2 =	rddreg [dreg:$0x2]  }
0x4: {  	s1 =	rddreg [dreg:$0x3];
	s3 =	simm.s32 $0x0;
	s11 =	simm.s32 $0x3  }
0x5: {  	s12 =	simm.s32 $0x1;
	s13 =	simm.s32 $0x80;
	s14 =	simm.s32 $0x2A00  }
0x6: {  	s15 =	simm.s32 $0x2;
	s19 =	simm.s32 $0x10;
	s5 =	sand.u32 $0x1, s0  }
0x7: {  	s20 =	simm.s32 $0x0;
	s0 =	stileid.u32;
	s6 =	smul.u32 $0x4E2, s5  }
0x8: {  	[smem:$0x7FF] =	sst s3;
	s8 =	smul.u32 $0x4E, s0;
	s28 =	smin.u32 s0, $0x2  }
0x9: {  	_ =	strace $0x80000047;
	s29 =	smul.u32 $0xA00, s0;
	s9 =	ssub.s32 $0x2, s5  }
0xa: {  	s10 =	smul.u32 $0x500, s0;
	s5 =	sshll.u32 s5, $0x7;
	s18 =	sor.u32 $0x2710, s0  }
0xb: {  	p0 =	slt.u32 s0, $0x2;
	s16 =	sshll.u32 s0, $0x6;
	s30 =	sshrl.u32 s9, $0x1  }
0xc: {  	s16 =	sor.u32 $0x1C03, s16;
	v0 =	vmov s18;
	s18 =	simm.s32 $0x20;
	s6 =	sadd.s32 s8, s6  }
0xd: {  	s9 =	ssub.s32 s9, s30;
	s8 =	sshrl.u32 s29, $0x2;
	s10 =	sor.u32 s5, s10  }
0xe: {  	s6 =	sadd.s32 s28, s6;
	s5 =	sadd.s32 s8, s2;
	s31 =	sshrl.u32 s10, $0x3  }
0xf: {  	s8 =	smax.u32 s9, $0x1;
	s9 =	simm.s32 $0x280;
	s6 =	sshll.u32 s6, $0x4  }
0x10: {  	s10 =	simm.s32 $0x2A80;
	s7 =	sadd.s32 s7, s31;
	s6 =	sadd.s32 s6, s4  }
0x11: {  	v1 =	vimm.f32 $0.0e+00;
	v2 =	vimm.f32 $1.000000000e+00;
	s17 =	sshrl.u32 s5, $0x3;
	s4 =	sadd.s32 $0xB000, s6;
	s6 =	sadd.s32 $0xB4E0, s6  }
.LBB2_1:
0x12: {  	[tilespmem:s9], [sflag:$0x1] =	stream.linear.gather [hbm4b:s4+s3], $0x2700, $0x38;
	[tilespmem:$0x2D00] =	vst v63  }
0x13: {  	[tilespmem:$0x2A80] =	vst v1  }
0x14: {  	[tilespmem:$0x2A90] =	vst v1  }
0x15: {  	[tilespmem:$0x2AA0] =	vst v1  }
0x16: {  	[tilespmem:$0x2AB0] =	vst v1  }
0x17: {  	[tilespmem:$0x2AC0] =	vst v1  }
0x18: {  	[tilespmem:$0x2AD0] =	vst v1  }
0x19: {  	[tilespmem:$0x2AE0] =	vst v1  }
0x1a: {  	[tilespmem:$0x2AF0] =	vst v1  }
0x1b: {  	[tilespmem:$0x2B00] =	vst v1  }
0x1c: {  	[tilespmem:$0x2B10] =	vst v1  }
0x1d: {  	[tilespmem:$0x2B20] =	vst v1  }
0x1e: {  	[tilespmem:$0x2B30] =	vst v1  }
0x1f: {  	[tilespmem:$0x2B40] =	vst v1  }
0x20: {  	[tilespmem:$0x2B50] =	vst v1  }
0x21: {  	[tilespmem:$0x2B60] =	vst v1  }
0x22: {  	[tilespmem:$0x2B70] =	vst v1  }
0x23: {  	[tilespmem:$0x2B80] =	vst v1  }
0x24: {  	[tilespmem:$0x2B90] =	vst v1  }
0x25: {  	[tilespmem:$0x2BA0] =	vst v1  }
0x26: {  	[tilespmem:$0x2BB0] =	vst v1  }
0x27: {  	[tilespmem:$0x2BC0] =	vst v1  }
0x28: {  	[tilespmem:$0x2BD0] =	vst v1  }
0x29: {  	[tilespmem:$0x2BE0] =	vst v1  }
0x2a: {  	[tilespmem:$0x2BF0] =	vst v1  }
0x2b: {  	[tilespmem:$0x2C00] =	vst v1  }
0x2c: {  	[tilespmem:$0x2C10] =	vst v1  }
0x2d: {  	[tilespmem:$0x2C20] =	vst v1  }
0x2e: {  	[tilespmem:$0x2C30] =	vst v1  }
0x2f: {  	[tilespmem:$0x2C40] =	vst v1  }
0x30: {  	[tilespmem:$0x2C50] =	vst v1  }
0x31: {  	[tilespmem:$0x2C60] =	vst v1  }
0x32: {  	[tilespmem:$0x2C70] =	vst v1  }
0x33: {  	[tilespmem:$0x2C80] =	vst v1  }
0x34: {  	[tilespmem:$0x2C90] =	vst v1  }
0x35: {  	[tilespmem:$0x2CA0] =	vst v1  }
0x36: {  	[tilespmem:$0x2CB0] =	vst v1  }
0x37: {  	[tilespmem:$0x2CC0] =	vst v1  }
0x38: {  	[tilespmem:$0x2CD0] =	vst v1  }
0x39: {  	[tilespmem:$0x2CE0] =	vst v1  }
0x3a: {  	[tilespmem:$0x2CF0] =	vst v1  }
0x3b: {  	[tilespmem:$0x2A00] =	vst v2  }
0x3c: {  	[tilespmem:$0x2A10] =	vst v2  }
0x3d: {  	[tilespmem:$0x2A20] =	vst v2  }
0x3e: {  	[tilespmem:$0x2A30] =	vst v2  }
0x3f: {  	[tilespmem:$0x2A40] =	vst v2  }
0x40: {  	[tilespmem:$0x2A50] =	vst v2  }
0x41: {  	[tilespmem:$0x2A60] =	vst v2  }
0x42: {  	[tilespmem:$0x2A70] =	vst v2  }
0x43: {  	[spmem:s5] =	stream.linear.scatter [tilespmem:s10], [sflag:$0x3], $0x280, $0x38;
	[tilespmem:$0x2D00] =	vst v63  }
0x44: {  	_ =	swait.ge [sflag:s11], $0x280  }
0x45: {  	[sflag:s11] =	ssyncset.done $0x0  }
0x46: {  	s21 =	simm.s32 @p0 $0x0;
	s22 =	simm.s32 @p0 $0x2980;
	[sflag:s11] =	ssyncadd.s32 $0xFFFFFD80  }
0x47: {  	[tilespmem:s22], [sflag:$0x3] =	stream.linear.gather @p0 [hbm4b:s6+s21], $0x80, $0x38;
	[tilespmem:$0x2D00] =	vst v63  }
0x48: {  	s21 =	simm.s32 @p0 $0x3  }
0x49: {  	_ =	swait.ge @p0 [sflag:s21], $0x80  }
0x4a: {  	[sflag:s21] =	ssyncset.done @p0 $0x0  }
0x4b: {  	[sflag:s21] =	ssyncadd.s32 @p0 $0xFFFFFF80  }
0x4c: {  	[tilespmem:$0x2980] =	vst @!p0 v0  }
0x4d: {  	[tilespmem:$0x2990] =	vst @!p0 v0  }
0x4e: {  	[tilespmem:$0x29A0] =	vst @!p0 v0  }
0x4f: {  	[tilespmem:$0x29B0] =	vst @!p0 v0  }
0x50: {  	[tilespmem:$0x29C0] =	vst @!p0 v0  }
0x51: {  	[tilespmem:$0x29D0] =	vst @!p0 v0  }
0x52: {  	[tilespmem:$0x29E0] =	vst @!p0 v0  }
0x53: {  	[tilespmem:$0x29F0] =	vst @!p0 v0  }
0x54: {  	_ =	swait.ge [sflag:s12], $0x2700  }
0x55: {  	[sflag:s12] =	ssyncset.done $0x0  }
0x56: {  	[sflag:s12] =	ssyncadd.s32 $0xFFFFD900  }
0x57: {  	s21 =	simm.s32 $0x0;
	[bflag:$0x0] =	sbarrier.arrive $0xFFFF  }
.LBB2_2:
0x58: {  	p1 =	sne.s32 s21, $0x9C00  }
.Ltmp0:
0x59: {  	_ = 	snop;
	(pc) =	sbr.rel @p1 .LBB2_2-.Ltmp0, $4  }
0x5a: {  	_ = 	snop  }
0x5b: {  	s22 =	sshra.s32 s21, $0x2  }
0x5c: {  	s21 =	sadd.s32 $0x200, s21;
	s22 =	sadd.s32 $0x280, s22  }
0x5d: {  	[spmem:s2] =	stream.indirect.scatter.add.f32 [tilespmem:s14], [sflag:$0x2], $0x1, s22, s13, $0xb8;
	[tilespmem:$0x2D00] =	vst v63  }
0x5e: {  	_ =	swait.ge [sflag:s15], $0x80  }
0x5f: {  	s21 =	simm.s32 $0x4E;
	[sflag:s15] =	ssyncset.done $0x0  }
.LBB2_4:
0x60: {  	p1 =	sne.s32 s21, $0x1;
	s21 =	sadd.s32 $0xFFFFFFFF, s21;
	[sflag:s15] =	ssyncadd.s32 $0xFFFFFF80  }
.Ltmp1:
0x61: {  	(pc) =	sbr.rel @p1 .LBB2_4-.Ltmp1, $3  }
0x62: {  	_ =	sdelay $0x1  }
0x63: {  	_ =	swait.ge [sflag:s15], $0x80  }
0x64: {  	[sflag:s15] =	ssyncset.done $0x0  }
0x65: {  	s20 =	sadd.s32 $0x1, s20  }
0x66: {  	[sflag:s15] =	ssyncadd.s32 $0xFFFFFF80;
	p1 =	sne.s32 s20, s8  }
.Ltmp2:
0x67: {  	[bflag:$0x0] =	sbarrier.arrive $0xFFFF;
	(pc) =	sbr.rel @p1 .LBB2_1-.Ltmp2, $4  }
0x68: {  	[hbm:s7@s18], [sflag:s16] =	dma.strided [spmem:s17@s19], $0x50, s12, $0x10   }
0x69: {  	_ =	swait.ge [sflag:s11], $0x50  }
0x6a: {  	[sflag:s11] =	ssyncset.done $0x0  }
0x6b: {  	[sflag:s11] =	ssyncadd.s32 $0xFFFFFFB0  }
0x6c: {  	_ =	sfence.sel $0x180000  }
0x6d: {  	[bflag:$0x0] =	sbarrier.arrive $0xFFFF  }
0x6e: {  	p0 =	sne.s32 s0, $0x0;
	_ =	strace $0x90000047  }
0x6f: {  	s0 =	sadd.s32 @!p0 $0x100000, s1;
	[bflag:$0x2] =	sbarrier.arrive $0xFFFF  }
0x70: {  	[sflag:s0] =	ssyncadd.tile.s32 @!p0 $0x1;
	_ =	shalt  }
.Lfunc_end2:
_tile_overlayer_lowered:
.L_overlay_start_2:
0x71: {  	(tag) =	ssettag $0x2  }
0x72: {  	s0 =	rddreg [dreg:$0x0];
	s2 =	stileid.u32  }
0x73: {  	s1 =	rddreg [dreg:$0x1];
	p0 =	sne.s32 s2, $0x0  }
0x74: {  	s3 =	rddreg [dreg:$0x2];
	[bflag:$0x3] =	sbarrier.arrive $0xFFFF;
	s2 =	simm.s32 @!p0 $0x1C03  }
0x75: {  	[timem:s3], [sflag:s2] =	dma.local @!p0 [hbm:s0], s1  }
0x76: {  	s0 =	simm.s32 @!p0 $0x3  }
0x77: {  	_ =	swait.ge @!p0 [sflag:s0], s1  }
0x78: {  	s1 =	ssub.s32 @!p0 $0x0, s1;
	[sflag:s0] =	ssyncset.done @!p0 $0x0  }
0x79: {  	[sflag:s0] =	ssyncadd.s32 @!p0 s1  }
0x7a: {  	[bflag:$0x3] =	sbarrier.arrive $0xFFFF  }
0x7b: {  	_ =	shalt  }

// kernel: kernel.9.cloned.1.call-start
scs
__scs_entry_jumppad:
0x0: {  	(pc) =	sbr.rel $0x88, $3  }
0x1: {  	(tag) =	ssettag $0x0;
	lr =	simm.s32 $0x1  }
0x2: {  	[smem:$0x3F9D] =	sst lr;
	_ =	strace $0xD0000000  }
0x3: {  	_ = 	snop  }
0x4: {  	_ = 	snop  }
0x5: {  	_ = 	snop  }
0x6: {  	_ = 	snop  }
0x7: {  	_ = 	snop  }
__scs_overlays_trampoline_lowered:
0x8: {  	[smem:$0x3FAC] =	sst s0  }
0x9: {  	[smem:$0x3FAD] =	sst s1  }
0xa: {  	[smem:$0x3FAE] =	sst s2  }
0xb: {  	[smem:$0x3FAF] =	sst s3  }
0xc: {  	[smem:$0x3FB0] =	sst s4  }
0xd: {  	[smem:$0x3FB1] =	sst s5  }
0xe: {  	[smem:$0x3FB2] =	sst s6  }
0xf: {  	[smem:$0x3FB3] =	sst s7  }
0x10: {  	[smem:$0x3FB4] =	sst s8  }
0x11: {  	[smem:$0x3FB5] =	sst s9;
	s0 =	simm.s32 @!p0 $0x0  }
0x12: {  	s1 =	sld [smem:$0x3F9B];
	s0 =	simm.s32 @p0 $0x1  }
0x13: {  	[smem:$0x3FB6] =	sst s0;
	s0 =	simm.s32 @!p1 $0x0  }
0x14: {  	s2 =	sld [smem:$0x3F9A];
	s0 =	simm.s32 @p1 $0x1  }
0x15: {  	[smem:$0x3FB7] =	sst s0;
	s0 =	simm.s32 @!p2 $0x0  }
0x16: {  	s3 =	sld [smem:$0x3FDB];
	s0 =	simm.s32 @p2 $0x1  }
0x17: {  	s4 =	simm.s32 $0x1BF5;
	[smem:$0x3FB9] =	sst s0  }
0x18: {  	s0 =	sld [smem:$0x3F9C];
	_ =	swait.ge [sflag:s4], $0x0  }
0x19: {  	s7 =	sld [smem:$0x3F9D]  }
0x1a: {  	s8 =	sadd.s32 $0xFFFFE003, lr  }
0x1b: {  	s9 =	sadd.s32 $0xFFFFFEF7, lr;
	s5 =	simm.s32 $0xFFFFFFFF;
	p2 =	slt.u32 s8, $0xFFFFF086  }
0x1c: {  	p1 =	slt.u32 s9, $0xF7A;
	s5 =	simm.s32 @!p2 $0x0  }
0x1d: {  	s5 =	simm.s32 @p1 $0x1;
	p0 =	seq.s32 s7, s2  }
0x1e: {  	s7 =	smul.u32 @!p0 $0xF7A, s2;
	p2 =	seq.s32 @!p0 s5, $0x0  }
0x1f: {  	s9 =	smul.u32 $0xF7A, s1;
	s8 =	simm.s32 @!p0 $0x1BF5;
	p2 =	por !p2, p0  }
0x20: {  	[sflag:s8] =	ssyncset.s32 @!p0 $0xFFFFF086;
	s6 =	sadd.s32 @!p0 s3, s7;
	s7 =	simm.s32 @!p0 $0x108  }
0x21: {  	s3 =	sadd.s32 s3, s9;
	s6 =	sadd.s32 @!p0 $0x88, s6;
	s7 =	simm.s32 @p2 $0x1082  }
0x22: {  	[simem:s7], [sflag:s8] =	dma.local @!p0 [hbm:s6], $0xF7A  }
0x23: {  	s9 =	sor.u32 $0xD0000000, s2;
	s6 =	simm.s32 $0x108;
	_ =	swait.ge @!p0 [sflag:s8], $0x0  }
0x24: {  	s3 =	sadd.s32 $0x88, s3;
	s6 =	simm.s32 @!p1 $0x1082;
	[sflag:s4] =	ssyncset.s32 $0xFFFFF086  }
0x25: {  	[simem:s6], [sflag:s4] =	dma.local [hbm:s3], $0xF7A  }
0x26: {  	[smem:$0x3F9D] =	sst s1;
	(tag) =	ssettag s2;
	_ =	strace s9  }
0x27: {  	s1 =	sld [smem:$0x3FAD]  }
0x28: {  	s2 =	sld [smem:$0x3FAE]  }
0x29: {  	s4 =	sld [smem:$0x3FB0]  }
0x2a: {  	p0 =	seq.s32 s5, $0x0;
	s5 =	sld [smem:$0x3FB1]  }
0x2b: {  	s6 =	sld [smem:$0x3FB2]  }
0x2c: {  	s7 =	sld [smem:$0x3FB3]  }
0x2d: {  	s3 =	simm.s32 $0x108;
	s8 =	sld [smem:$0x3FB4]  }
0x2e: {  	s3 =	simm.s32 @!p0 $0x1082;
	s9 =	sld [smem:$0x3FB5]  }
0x2f: {  	lr =	sadd.s32 s0, s3;
	s0 =	sld [smem:$0x3FAC]  }
0x30: {  	s3 =	sld [smem:$0x3FAF]  }
0x31: {  	[smem:$0x3FB8] =	sst s10  }
0x32: {  	s10 =	sld [smem:$0x3FB6];
	_ =	sdelay $0x3  }
0x33: {  	p0 =	seq.s32 s10, $0x1;
	s10 =	sld [smem:$0x3FB8];
	_ =	sdelay $0x3  }
0x34: {  	[smem:$0x3FB8] =	sst s10  }
0x35: {  	s10 =	sld [smem:$0x3FB7];
	_ =	sdelay $0x3  }
0x36: {  	p1 =	seq.s32 s10, $0x1;
	s10 =	sld [smem:$0x3FB8];
	_ =	sdelay $0x3  }
0x37: {  	[smem:$0x3FB8] =	sst s10  }
0x38: {  	s10 =	sld [smem:$0x3FB9]  }
0x39: {  	_ = 	snop;
	(pc) =	sbr.ind lr, $3  }
0x3a: {  	_ = 	snop  }
0x3b: {  	_ = 	snop  }
0x3c: {  	p2 =	seq.s32 s10, $0x1;
	s10 =	sld [smem:$0x3FB8]  }
0x3d: {  	_ =	shalt  }
0x3e: {  	_ =	shalt  }
0x3f: {  	_ =	shalt  }
0x40: {  	_ =	shalt  }
0x41: {  	_ =	shalt  }
0x42: {  	_ =	shalt  }
0x43: {  	_ =	shalt  }
0x44: {  	_ =	shalt  }
0x45: {  	_ =	shalt  }
0x46: {  	_ =	shalt  }
0x47: {  	_ =	shalt  }
0x48: {  	_ =	shalt  }
0x49: {  	_ =	shalt  }
0x4a: {  	_ =	shalt  }
0x4b: {  	_ =	shalt  }
0x4c: {  	_ =	shalt  }
0x4d: {  	_ =	shalt  }
0x4e: {  	_ =	shalt  }
0x4f: {  	_ =	shalt  }
0x50: {  	_ =	shalt  }
0x51: {  	_ =	shalt  }
0x52: {  	_ =	shalt  }
0x53: {  	_ =	shalt  }
0x54: {  	_ =	shalt  }
0x55: {  	_ =	shalt  }
0x56: {  	_ =	shalt  }
0x57: {  	_ =	shalt  }
0x58: {  	_ =	shalt  }
0x59: {  	_ =	shalt  }
0x5a: {  	_ =	shalt  }
0x5b: {  	_ =	shalt  }
0x5c: {  	_ =	shalt  }
0x5d: {  	_ =	shalt  }
0x5e: {  	_ =	shalt  }
0x5f: {  	_ =	shalt  }
0x60: {  	_ =	shalt  }
0x61: {  	_ =	shalt  }
0x62: {  	_ =	shalt  }
0x63: {  	_ =	shalt  }
0x64: {  	_ =	shalt  }
0x65: {  	_ =	shalt  }
0x66: {  	_ =	shalt  }
0x67: {  	_ =	shalt  }
0x68: {  	_ =	shalt  }
0x69: {  	_ =	shalt  }
0x6a: {  	_ =	shalt  }
0x6b: {  	_ =	shalt  }
0x6c: {  	_ =	shalt  }
0x6d: {  	_ =	shalt  }
0x6e: {  	_ =	shalt  }
0x6f: {  	_ =	shalt  }
0x70: {  	_ =	shalt  }
0x71: {  	_ =	shalt  }
0x72: {  	_ =	shalt  }
0x73: {  	_ =	shalt  }
0x74: {  	_ =	shalt  }
0x75: {  	_ =	shalt  }
0x76: {  	_ =	shalt  }
0x77: {  	_ =	shalt  }
0x78: {  	_ =	shalt  }
0x79: {  	_ =	shalt  }
0x7a: {  	_ =	shalt  }
0x7b: {  	_ =	shalt  }
0x7c: {  	_ =	shalt  }
0x7d: {  	_ =	shalt  }
0x7e: {  	_ =	shalt  }
0x7f: {  	_ =	shalt  }
0x80: {  	_ =	shalt  }
0x81: {  	_ =	shalt  }
0x82: {  	_ =	shalt  }
0x83: {  	_ =	shalt  }
0x84: {  	_ =	shalt  }
0x85: {  	_ =	shalt  }
0x86: {  	_ =	shalt  }
0x87: {  	_ =	shalt  }
.Lfunc_end0:
.L_simem_size_0:
called_computation.1_lowered:
.L_overlay_start_0:
0x88: {  	s2 =	sld [smem:$0x3FD9]  }
0x89: {  	s3 =	sld [smem:$0x3FFE];
	_ =	sdelay $0x1  }
0x8a: {  	s1 =	srdreg.scid  }
0x8b: {  	s0 =	sand.u32 $0x1, s1  }
0x8c: {  	s17 =	sshll.u32 s0, $0xA;
	s2 =	sadd.s32 s3, s2  }
0x8d: {  	s2 =	sadd.s32 s2, s17  }
0x8e: {  	[smem:$0x3FC4] =	sst s2  }
0x8f: {  	_ = 	snop  }
0x90: {  	s2 =	sld [smem:$0x3FD0];
	(tm) =	ssettm $0x1  }
0x91: {  	s18 =	sld [smem:$0x3FFB];
	_ =	sdelay $0x3  }
0x92: {  	_ =	strace s18  }
0x93: {  	s3 =	sld [smem:$0x3FFC];
	_ =	sdelay $0x3  }
0x94: {  	_ =	strace s3  }
0x95: {  	s3 =	sld [smem:$0x3FFD];
	_ =	sdelay $0x3  }
0x96: {  	_ =	strace s3  }
0x97: {  	_ =	strace $0x8FFFFFFF  }
0x98: {  	s19 =	sld [smem:$0x3FDB];
	_ =	sdelay $0x1  }
0x99: {  	s4 =	simm.s32 $_scs_section_size  }
0x9a: {  	s5 =	simm.s32 $_size__tile_overlayer_lowered;
	s6 =	simm.s32 $_tile_overlayer_lowered  }
0x9b: {  	s22 =	simm.s32 $0x1BFF;
	s21 =	sshll.u32 s6, $0x1;
	s3 =	sadd.s32 s4, s19  }
0x9c: {  	s7 =	simm.s32 $0x0;
	s20 =	sshll.u32 s5, $0x1;
	s5 =	sadd.s32 s21, s3  }
0x9d: {  	[timem:s7], [sflag:s22] =	dma.local [hbm:s5], s20  }
0x9e: {  	_ =	swait.ge [sflag:s22], s20  }
0x9f: {  	s4 =	ssub.s32 $0x0, s20;
	[sflag:s22] =	ssyncset.done $0x0  }
0xa0: {  	[sflag:s22] =	ssyncadd.s32 s4;
	_ =	sdelay $0x1  }
0xa1: {  	s23 =	simm.s32 $0x1B8B  }
0xa2: {  	_ =	swait.ge [sflag:s23], $0x1  }
0xa3: {  	[sflag:s23] =	ssyncset.done $0x0  }
0xa4: {  	s25 =	simm.s32 $0x1B8E;
	s24 =	sld [smem:$0x3FFE];
	[sflag:s23] =	ssyncadd.s32 $0xFFFFFFFF  }
0xa5: {  	s26 =	simm.s32 $execute0_lowered;
	[smem:$0x3FD2] =	sst s25  }
0xa6: {  	s5 =	sshll.u32 s26, $0x1;
	_ =	strace $0x80000049;
	[dreg:$0x1] =	wrdreg $0xFFFFFFFF  }
0xa7: {  	s28 =	simm.s32 $_size_execute0_lowered;
	s3 =	sadd.s32 s3, s5;
	[dreg:$0x0] =	wrdreg $0x0  }
0xa8: {  	s5 =	sshll.u32 s28, $0x1;
	[dreg:$0x2] =	wrdreg s3  }
0xa9: {  	[dreg:$0x3] =	wrdreg s5  }
0xaa: {  	[dreg:$0x4] =	wrdreg $0xC0  }
0xab: {  	_ =	task [dreg:s7], $0x5FFFF  }
0xac: {  	[dreg:$0x1] =	wrdreg $0xFFFFFFFF  }
0xad: {  	[dreg:$0x0] =	wrdreg $0x60  }
0xae: {  	[dreg:$0x2] =	wrdreg s2  }
0xaf: {  	[dreg:$0x3] =	wrdreg s24  }
0xb0: {  	[dreg:$0x4] =	wrdreg $0x0  }
0xb1: {  	[dreg:$0x5] =	wrdreg $0x9  }
0xb2: {  	_ =	task.clear_ibuf [dreg:s7], $0x6FFFF;
	_ =	strace $0x90000049  }
0xb3: {  	s29 =	simm.s32 $0x9;
	_ =	strace $0x8000004B  }
0xb4: {  	_ =	swait.ge [sflag:s29], $0x1  }
0xb5: {  	[sflag:s29] =	ssyncadd.s32 $0xFFFFFFFF  }
0xb6: {  	_ =	strace $0x9000004B  }
0xb7: {  	_ =	sfence  }
0xb8: {  	s30 =	sld [smem:$0x0];
	_ =	sdelay $0x2  }
0xb9: {  	s31 =	sshll.u32 s1, $0xD;
	s1 =	sshrl.u32 s1, $0x2  }
0xba: {  	s3 =	sand.u32 $0x4000, s31;
	s1 =	sadd.s32 s1, s30  }
0xbb: {  	s0 =	sor.u32 s3, s0;
	s1 =	sshll.u32 s1, $0x11  }
0xbc: {  	s0 =	sor.u32 s1, s0  }
0xbd: {  	s0 =	sadd.s32 $0x8F2B, s0  }
0xbe: {  	[sflag:s0] =	ssyncadd.remote.s32 $0x1  }
0xbf: {  	_ =	sfence.sel $0xFFFF  }
0xc0: {  	[dreg:$0x0] =	wrdreg $0xFFFFFFFF;
	(pc) =	sbr.abs _section_cstart, $3  }
0xc1: {  	[dreg:$0x1] =	wrdreg $0xFFFFFFFF  }
0xc2: {  	_ =	task.clear_ibuf [dreg:s7], $0x2FFFF;
	_ =	strace $0x9FFFFFFF  }
0xc3: {  	(tm) =	ssettm $0x7FFFFFFF  }
tec
execute0_lowered:
.L_overlay_start_1:
0x0: {  	(tag) =	ssettag $0x1  }
0x1: {  	s1 =	rddreg [dreg:$0x0]  }
0x2: {  	s0 =	rddreg [dreg:$0x1]  }
0x3: {  	s2 =	rddreg [dreg:$0x2];
	s12 =	stileid.u32  }
0x4: {  	s3 =	srdreg.scid;
	s4 =	simm.s32 $0x0;
	s6 =	smul.u32 $0x13C00, s12  }
0x5: {  	s28 =	simm.s32 $0x13D80;
	s30 =	simm.s32 $0x80;
	s26 =	smul.u32 $0x4F000, s12  }
0x6: {  	s3 =	sand.u32 $0x1, s3;
	[smem:$0x7FF] =	sst s4;
	s10 =	smul.u32 $0x4E, s12  }
0x7: {  	s8 =	sadd.s32 $0xB000, s0;
	s9 =	sadd.s32 $0x1200, s0;
	s5 =	smul.u32 $0x13C000, s3  }
0x8: {  	p0 =	sgt.u32 s12, $0x1;
	_ =	strace $0x8000004A;
	s7 =	smul.u32 $0x4E2, s3  }
0x9: {  	s11 =	ssub.s32 $0x2, s3;
	s23 =	smul.u32 $0x4E20, s3;
	s29 =	sshrl.u32 s26, $0x2  }
0xa: {  	s31 =	sshrl.u32 s11, $0x1;
	s26 =	smul.u32 $0x4E0, s12;
	s5 =	sadd.s32 s6, s5  }
0xb: {  	s10 =	sadd.s32 s10, s7;
	s6 =	ssub.s32 s11, s31;
	s7 =	sadd.s32 s12, s7  }
0xc: {  	s12 =	simm.s32 $0x4;
	s5 =	sshrl.u32 s5, $0x3;
	s10 =	sshll.u32 s10, $0x4  }
0xd: {  	s7 =	sshll.u32 s7, $0x4;
	s20 =	smax.u32 s6, $0x1;
	s0 =	sadd.s32 s5, s0  }
0xe: {  	s5 =	sadd.s32 s29, s2;
	s14 =	sadd.s32 s9, s10;
	[dreg:$0xe] =	wrdreg s20  }
0xf: {  	s15 =	sor.u32 $0x10, s10;
	s13 =	sadd.s32 $0x10000, s5;
	[dreg:$0x5] =	wrdreg s14  }
0x10: {  	s17 =	sadd.s32 $0x20, s10;
	s16 =	sadd.s32 s9, s15;
	[dreg:$0x4] =	wrdreg s13  }
0x11: {  	s7 =	sadd.s32 $0x4E00, s7;
	s11 =	sadd.s32 s8, s15;
	[dreg:$0x7] =	wrdreg s16  }
0x12: {  	s25 =	sadd.s32 $0x40, s10;
	s18 =	sadd.s32 s9, s17;
	[dreg:$0x8] =	wrdreg s11  }
0x13: {  	s29 =	sadd.s32 s23, s8;
	s19 =	sadd.s32 s9, s7;
	[dreg:$0x9] =	wrdreg s18  }
0x14: {  	s7 =	sadd.s32 s8, s7;
	s0 =	sadd.s32 $0x14E00, s0;
	[dreg:$0xb] =	wrdreg s19  }
0x15: {  	s21 =	sadd.s32 $0x4000, s5;
	s22 =	sadd.s32 $0x8000, s5;
	[dreg:$0xc] =	wrdreg s7  }
0x16: {  	s24 =	sadd.s32 $0xC000, s5;
	s20 =	sadd.s32 s25, s8;
	[dreg:$0xd] =	wrdreg s0  }
0x17: {  	s31 =	sadd.s32 s26, s29;
	s14 =	simm.s32 $0x6;
	[dreg:$0xf] =	wrdreg s21  }
0x18: {  	s15 =	simm.s32 $0xD;
	s13 =	sadd.s32 s8, s10;
	[dreg:$0x10] =	wrdreg s22  }
0x19: {  	s11 =	sadd.s32 s8, s17;
	[dreg:$0x11] =	wrdreg s24;
	s0 =	sadd.s32 s23, s9  }
0x1a: {  	s21 =	sadd.s32 s25, s9;
	s22 =	sadd.s32 $0x30, s31;
	s24 =	simm.s32 $0x13F00  }
0x1b: {  	s25 =	simm.s32 $0x1;
	s7 =	simm.s32 $0x9;
	s8 =	simm.s32 $0x1BF00  }
0x1c: {  	s9 =	simm.s32 $0xA;
	s10 =	simm.s32 $0x3;
	[dreg:$0x6] =	wrdreg s13  }
0x1d: {  	[dreg:$0xa] =	wrdreg s11;
	s0 =	sadd.s32 s26, s0;
	s11 =	simm.s32 $0xC  }
0x1e: {  	v0 =	vimm.f32 $0.0e+00;
	s13 =	simm.s32 $0x5;
	s23 =	sadd.s32 $0x30, s0;
	s0 =	simm.s32 $0x13E80  }
.LBB2_1:
0x1f: {  	s16 =	simm.s32 $0x0;
	s17 =	simm.s32 $0x200  }
.LBB2_2:
0x20: {  	p1 =	sne.s32 s17, $0xFE00;
	[tilespmem:s16+$0x13F70] =	vst v0  }
0x21: {  	[tilespmem:s16+$0x13F00] =	vst v0  }
0x22: {  	[tilespmem:s16+$0x13F10] =	vst v0  }
.Ltmp0:
0x23: {  	[tilespmem:s16+$0x13F20] =	vst v0;
	(pc) =	sbr.rel @p1 .LBB2_2-.Ltmp0, $4  }
0x24: {  	[tilespmem:s16+$0x13F30] =	vst v0  }
0x25: {  	[tilespmem:s16+$0x13F40] =	vst v0  }
0x26: {  	[tilespmem:s16+$0x13F50] =	vst v0  }
0x27: {  	[tilespmem:s16+$0x13F60] =	vst v0;
	s16 =	sshra.s32 s17, $0x2;
	s17 =	sadd.s32 $0x200, s17  }
0x28: {  	[tilespmem:s16+$0x13F70] =	vst v0  }
0x29: {  	[tilespmem:s16+$0x13F00] =	vst v0  }
0x2a: {  	[tilespmem:s16+$0x13F10] =	vst v0  }
0x2b: {  	[tilespmem:s16+$0x13F20] =	vst v0  }
0x2c: {  	[tilespmem:s16+$0x13F30] =	vst v0  }
0x2d: {  	[tilespmem:s16+$0x13F40] =	vst v0  }
0x2e: {  	[tilespmem:s16+$0x13F50] =	vst v0  }
0x2f: {  	[tilespmem:s16+$0x13F60] =	vst v0  }
0x30: {  	[spmem:s5] =	stream.linear.scatter [tilespmem:s24], [sflag:$0x1], $0x4000, $0x38;
	[tilespmem:$0x1FF00] =	vst v63  }
0x31: {  	s3 =	rddreg [dreg:$0xf]  }
0x32: {  	[spmem:s3] =	stream.linear.scatter [tilespmem:s24], [sflag:$0x1], $0x4000, $0x38;
	[tilespmem:$0x1FF00] =	vst v63  }
0x33: {  	s6 =	rddreg [dreg:$0x10]  }
0x34: {  	[spmem:s6] =	stream.linear.scatter [tilespmem:s24], [sflag:$0x1], $0x4000, $0x38;
	[tilespmem:$0x1FF00] =	vst v63  }
0x35: {  	s16 =	rddreg [dreg:$0x11]  }
0x36: {  	[spmem:s16] =	stream.linear.scatter [tilespmem:s24], [sflag:$0x1], $0x4000, $0x38;
	[tilespmem:$0x1FF00] =	vst v63  }
0x37: {  	s17 =	rddreg [dreg:$0x4]  }
0x38: {  	[spmem:s17] =	stream.linear.scatter [tilespmem:s24], [sflag:$0x1], $0x3C00, $0x38;
	[tilespmem:$0x1FF00] =	vst v63  }
0x39: {  	_ =	swait.ge [sflag:s25], $0x4000  }
0x3a: {  	[sflag:s25] =	ssyncset.done $0x0  }
0x3b: {  	[sflag:s25] =	ssyncadd.s32 $0xFFFFC000  }
0x3c: {  	_ =	swait.ge [sflag:s25], $0x4000  }
0x3d: {  	[sflag:s25] =	ssyncset.done $0x0  }
0x3e: {  	[sflag:s25] =	ssyncadd.s32 $0xFFFFC000  }
0x3f: {  	_ =	swait.ge [sflag:s25], $0x4000  }
0x40: {  	[sflag:s25] =	ssyncset.done $0x0  }
0x41: {  	[sflag:s25] =	ssyncadd.s32 $0xFFFFC000  }
0x42: {  	_ =	swait.ge [sflag:s25], $0x4000  }
0x43: {  	[sflag:s25] =	ssyncset.done $0x0  }
0x44: {  	[sflag:s25] =	ssyncadd.s32 $0xFFFFC000  }
0x45: {  	_ =	swait.ge [sflag:s25], $0x3C00  }
0x46: {  	[sflag:s25] =	ssyncset.done $0x0  }
0x47: {  	[sflag:s25] =	ssyncadd.s32 $0xFFFFC400  }
0x48: {  	[bflag:$0x0] =	sbarrier.arrive $0xFFFF  }
0x49: {  	s6 =	simm.s32 $0x13C00;
	s16 =	simm.s32 $0x0;
	s18 =	rddreg [dreg:$0x5]  }
0x4a: {  	[tilespmem:s6], [sflag:$0x7] =	stream.linear.gather [hbm4b:s18+s16], $0x80, $0x38;
	[tilespmem:$0x1FF00] =	vst v63  }
0x4b: {  	s19 =	rddreg [dreg:$0x6]  }
0x4c: {  	[tilespmem:s28], [sflag:$0xA] =	stream.linear.gather [hbm4b:s19+s16], $0x80, $0x38;
	[tilespmem:$0x1FF00] =	vst v63  }
0x4d: {  	s17 =	simm.s32 $0x13C80;
	s26 =	rddreg [dreg:$0x7]  }
0x4e: {  	[tilespmem:s17], [sflag:$0x8] =	stream.linear.gather [hbm4b:s26+s16], $0x80, $0x38;
	[tilespmem:$0x1FF00] =	vst v63  }
0x4f: {  	s29 =	rddreg [dreg:$0x8];
	s18 =	simm.s32 $0x13E00  }
0x50: {  	[tilespmem:s18], [sflag:$0xB] =	stream.linear.gather [hbm4b:s29+s16], $0x80, $0x38;
	[tilespmem:$0x1FF00] =	vst v63  }
0x51: {  	s31 =	rddreg [dreg:$0x9];
	s18 =	simm.s32 $0x13D00  }
0x52: {  	[tilespmem:s18], [sflag:$0x9] =	stream.linear.gather [hbm4b:s31+s16], $0x80, $0x38;
	[tilespmem:$0x1FF00] =	vst v63  }
0x53: {  	s19 =	rddreg [dreg:$0xa];
	s26 =	simm.s32 $0x7  }
0x54: {  	[tilespmem:s0], [sflag:$0xC] =	stream.linear.gather [hbm4b:s19+s16], $0x80, $0x38;
	[tilespmem:$0x1FF00] =	vst v63  }
0x55: {  	_ =	swait.ge [sflag:s26], $0x80  }
0x56: {  	[sflag:s26] =	ssyncset.done $0x0  }
0x57: {  	s29 =	simm.s32 $0x8;
	[sflag:s26] =	ssyncadd.s32 $0xFFFFFF80  }
0x58: {  	[tilespmem:s24], [sflag:$0x1] =	stream.indirect.gather [hbm4b:s1+s30], $0x80, s6, s30, $0xb8;
	[tilespmem:$0x1FF00] =	vst v63  }
0x59: {  	_ =	swait.ge [sflag:s29], $0x80  }
0x5a: {  	[sflag:s29] =	ssyncset.done $0x0  }
0x5b: {  	s31 =	simm.s32 $0x17F00;
	[sflag:s29] =	ssyncadd.s32 $0xFFFFFF80  }
0x5c: {  	[tilespmem:s31], [sflag:$0x2] =	stream.indirect.gather [hbm4b:s1+s30], $0x80, s17, s30, $0xb8;
	[tilespmem:$0x1FF00] =	vst v63  }
0x5d: {  	_ =	swait.ge [sflag:s7], $0x80  }
0x5e: {  	[sflag:s7] =	ssyncset.done $0x0  }
0x5f: {  	[sflag:s7] =	ssyncadd.s32 $0xFFFFFF80  }
0x60: {  	[tilespmem:s8], [sflag:$0x3] =	stream.indirect.gather [hbm4b:s1+s30], $0x80, s18, s30, $0xb8;
	[tilespmem:$0x1FF00] =	vst v63  }
.LBB2_4:
0x61: {  	_ =	swait.ge [sflag:s25], $0x4000  }
0x62: {  	[sflag:s25] =	ssyncset.done $0x0  }
0x63: {  	[sflag:s25] =	ssyncadd.s32 $0xFFFFC000  }
0x64: {  	_ =	swait.ge [sflag:s9], $0x80  }
0x65: {  	p1 =	seq.s32 s16, $0x4B0;
	[sflag:s9] =	ssyncset.done $0x0  }
0x66: {  	s17 =	simm.s32 @p1 $0x2;
	[sflag:s9] =	ssyncadd.s32 $0xFFFFFF80  }
0x67: {  	[spmem:s2] =	stream.indirect.scatter.add.f32 [tilespmem:s24], [sflag:$0x4], $0x80, s28, s30, $0xb8;
	[tilespmem:$0x1FF00] =	vst v63  }
0x68: {  	_ =	swait.ge @p1 [sflag:s17], $0x4000  }
0x69: {  	[sflag:s17] =	ssyncset.done @p1 $0x0  }
0x6a: {  	[sflag:s17] =	ssyncadd.s32 @p1 $0xFFFFC000;
	s17 =	simm.s32 @p1 $0xB  }
0x6b: {  	_ =	swait.ge @p1 [sflag:s17], $0x80  }
0x6c: {  	s18 =	simm.s32 @p1 $0x13E00;
	[sflag:s17] =	ssyncset.done @p1 $0x0  }
0x6d: {  	s19 =	simm.s32 @p1 $0x17F00;
	[sflag:s17] =	ssyncadd.s32 @p1 $0xFFFFFF80;
	s17 =	simm.s32 @p1 $0x80  }
0x6e: {  	[spmem:s2] =	stream.indirect.scatter.add.f32 @p1 [tilespmem:s19], [sflag:$0x5], $0x80, s18, s17, $0xb8;
	[tilespmem:$0x1FF00] =	vst v63  }
0x6f: {  	s18 =	sadd.s32 @!p1 s16, s23;
	s17 =	simm.s32 @!p1 $0x0;
	s19 =	simm.s32 @!p1 $0x13C00  }
0x70: {  	[tilespmem:s19], [sflag:$0x7] =	stream.linear.gather @!p1 [hbm4b:s18+s17], $0x80, $0x38;
	[tilespmem:$0x1FF00] =	vst v63  }
0x71: {  	s18 =	simm.s32 @!p1 $0x2  }
0x72: {  	_ =	swait.ge @!p1 [sflag:s18], $0x4000  }
0x73: {  	[sflag:s18] =	ssyncset.done @!p1 $0x0  }
0x74: {  	[sflag:s18] =	ssyncadd.s32 @!p1 $0xFFFFC000;
	s18 =	simm.s32 @!p1 $0xB  }
0x75: {  	_ =	swait.ge @!p1 [sflag:s18], $0x80  }
0x76: {  	s26 =	simm.s32 @!p1 $0x13E00;
	[sflag:s18] =	ssyncset.done @!p1 $0x0  }
0x77: {  	s29 =	simm.s32 @!p1 $0x17F00;
	[sflag:s18] =	ssyncadd.s32 @!p1 $0xFFFFFF80;
	s18 =	simm.s32 @!p1 $0x80  }
0x78: {  	[spmem:s2] =	stream.indirect.scatter.add.f32 @!p1 [tilespmem:s29], [sflag:$0x5], $0x80, s26, s18, $0xb8;
	[tilespmem:$0x1FF00] =	vst v63  }
0x79: {  	s31 =	sadd.s32 @!p1 s16, s21;
	s3 =	simm.s32 @!p1 $0x13C80  }
0x7a: {  	[tilespmem:s3], [sflag:$0x8] =	stream.linear.gather @!p1 [hbm4b:s31+s17], $0x80, $0x38;
	[tilespmem:$0x1FF00] =	vst v63  }
0x7b: {  	_ =	swait.ge [sflag:s10], $0x4000  }
0x7c: {  	[sflag:s10] =	ssyncset.done $0x0  }
0x7d: {  	[sflag:s10] =	ssyncadd.s32 $0xFFFFC000  }
0x7e: {  	_ =	swait.ge [sflag:s11], $0x80  }
0x7f: {  	[sflag:s11] =	ssyncset.done $0x0  }
0x80: {  	[sflag:s11] =	ssyncadd.s32 $0xFFFFFF80  }
0x81: {  	[spmem:s2] =	stream.indirect.scatter.add.f32 [tilespmem:s8], [sflag:$0x6], $0x80, s0, s30, $0xb8;
	[tilespmem:$0x1FF00] =	vst v63  }
0x82: {  	s6 =	simm.s32 @!p1 $0x13D00;
	s31 =	sadd.s32 @!p1 $0x10, s31  }
0x83: {  	[tilespmem:s6], [sflag:$0x9] =	stream.linear.gather @!p1 [hbm4b:s31+s17], $0x80, $0x38;
	[tilespmem:$0x1FF00] =	vst v63  }
0x84: {  	s31 =	simm.s32 @!p1 $0x4  }
0x85: {  	_ =	swait.ge @!p1 [sflag:s31], $0x4000  }
0x86: {  	[sflag:s31] =	ssyncset.done @!p1 $0x0  }
0x87: {  	[sflag:s31] =	ssyncadd.s32 @!p1 $0xFFFFC000;
	s31 =	simm.s32 @!p1 $0x7  }
0x88: {  	_ =	swait.ge @!p1 [sflag:s31], $0x80  }
0x89: {  	[sflag:s31] =	ssyncset.done @!p1 $0x0  }
0x8a: {  	[sflag:s31] =	ssyncadd.s32 @!p1 $0xFFFFFF80;
	s31 =	simm.s32 @!p1 $0x13F00  }
0x8b: {  	[tilespmem:s31], [sflag:$0x1] =	stream.indirect.gather @!p1 [hbm4b:s1+s18], $0x80, s19, s18, $0xb8;
	[tilespmem:$0x1FF00] =	vst v63  }
0x8c: {  	s19 =	sadd.s32 @!p1 s16, s22;
	s31 =	simm.s32 @!p1 $0x13D80  }
0x8d: {  	[tilespmem:s31], [sflag:$0xA] =	stream.linear.gather @!p1 [hbm4b:s19+s17], $0x80, $0x38;
	[tilespmem:$0x1FF00] =	vst v63  }
0x8e: {  	s19 =	simm.s32 @!p1 $0x5  }
0x8f: {  	_ =	swait.ge @!p1 [sflag:s19], $0x4000  }
0x90: {  	[sflag:s19] =	ssyncset.done @!p1 $0x0  }
0x91: {  	[sflag:s19] =	ssyncadd.s32 @!p1 $0xFFFFC000;
	s19 =	simm.s32 @!p1 $0x8  }
0x92: {  	_ =	swait.ge @!p1 [sflag:s19], $0x80  }
0x93: {  	[sflag:s19] =	ssyncset.done @!p1 $0x0  }
0x94: {  	[sflag:s19] =	ssyncadd.s32 @!p1 $0xFFFFFF80  }
0x95: {  	[tilespmem:s29], [sflag:$0x2] =	stream.indirect.gather @!p1 [hbm4b:s1+s18], $0x80, s3, s18, $0xb8;
	[tilespmem:$0x1FF00] =	vst v63  }
0x96: {  	s19 =	simm.s32 @!p1 $0x6;
	s3 =	sadd.s32 @!p1 s16, s20  }
0x97: {  	[tilespmem:s26], [sflag:$0xB] =	stream.linear.gather @!p1 [hbm4b:s3+s17], $0x80, $0x38;
	[tilespmem:$0x1FF00] =	vst v63  }
0x98: {  	_ =	swait.ge @!p1 [sflag:s19], $0x4000  }
0x99: {  	[sflag:s19] =	ssyncset.done @!p1 $0x0  }
0x9a: {  	[sflag:s19] =	ssyncadd.s32 @!p1 $0xFFFFC000;
	s19 =	simm.s32 @!p1 $0x9  }
0x9b: {  	_ =	swait.ge @!p1 [sflag:s19], $0x80  }
0x9c: {  	[sflag:s19] =	ssyncset.done @!p1 $0x0  }
0x9d: {  	s16 =	sadd.s32 @!p1 $0x30, s16;
	[sflag:s19] =	ssyncadd.s32 @!p1 $0xFFFFFF80;
	s19 =	simm.s32 @!p1 $0x1BF00  }
0x9e: {  	[tilespmem:s19], [sflag:$0x3] =	stream.indirect.gather @!p1 [hbm4b:s1+s18], $0x80, s6, s18, $0xb8;
	[tilespmem:$0x1FF00] =	vst v63  }
0x9f: {  	p2 =	sne.s32 @!p1 s16, $0x4E0;
	s3 =	sadd.s32 @!p1 $0x10, s3;
	s6 =	simm.s32 @!p1 $0x13E80  }
0xa0: {  	[tilespmem:s6], [sflag:$0xC] =	stream.linear.gather @!p1 [hbm4b:s3+s17], $0x80, $0x38;
	[tilespmem:$0x1FF00] =	vst v63  }
0xa1: {  	p1 =	por p1, !p2  }
.Ltmp1:
0xa2: {  	_ = 	snop;
	(pc) =	sbr.rel @!p1 .LBB2_4-.Ltmp1, $1  }
0xa3: {  	_ =	sdelay $0x3  }
0xa4: {  	_ =	swait.ge [sflag:s12], $0x4000  }
0xa5: {  	[sflag:s12] =	ssyncset.done $0x0  }
0xa6: {  	[sflag:s12] =	ssyncadd.s32 $0xFFFFC000  }
0xa7: {  	_ =	swait.ge [sflag:s13], $0x4000  }
0xa8: {  	[sflag:s13] =	ssyncset.done $0x0  }
0xa9: {  	[sflag:s13] =	ssyncadd.s32 $0xFFFFC000  }
0xaa: {  	_ =	swait.ge [sflag:s14], $0x4000  }
0xab: {  	s3 =	simm.s32 @!p0 $0x0;
	[sflag:s14] =	ssyncset.done $0x0  }
0xac: {  	s6 =	simm.s32 @!p0 $0x13C00;
	s16 =	rddreg [dreg:$0xb];
	[sflag:s14] =	ssyncadd.s32 $0xFFFFC000  }
0xad: {  	[tilespmem:s6], [sflag:$0xD] =	stream.linear.gather @!p0 [hbm4b:s16+s3], $0x80, $0x38;
	[tilespmem:$0x1FF00] =	vst v63  }
0xae: {  	s16 =	simm.s32 @!p0 $0xD  }
0xaf: {  	_ =	swait.ge @!p0 [sflag:s16], $0x80  }
0xb0: {  	[sflag:s16] =	ssyncset.done @!p0 $0x0  }
0xb1: {  	s17 =	simm.s32 @!p0 $0x13D80;
	s18 =	rddreg [dreg:$0xc];
	[sflag:s16] =	ssyncadd.s32 @!p0 $0xFFFFFF80  }
0xb2: {  	[tilespmem:s17], [sflag:$0xD] =	stream.linear.gather @!p0 [hbm4b:s18+s3], $0x80, $0x38;
	[tilespmem:$0x1FF00] =	vst v63  }
0xb3: {  	_ =	swait.ge @!p0 [sflag:s16], $0x80  }
0xb4: {  	[sflag:s16] =	ssyncset.done @!p0 $0x0  }
0xb5: {  	s3 =	simm.s32 @!p0 $0x80;
	s18 =	simm.s32 @!p0 $0x13F00;
	[sflag:s16] =	ssyncadd.s32 @!p0 $0xFFFFFF80  }
0xb6: {  	[tilespmem:s18], [sflag:$0x1] =	stream.indirect.gather @!p0 [hbm4b:s1+s3], $0x80, s6, s3, $0xb8;
	[tilespmem:$0x1FF00] =	vst v63  }
0xb7: {  	s6 =	simm.s32 @!p0 $0x1  }
0xb8: {  	_ =	swait.ge @!p0 [sflag:s6], $0x4000  }
0xb9: {  	[sflag:s6] =	ssyncset.done @!p0 $0x0  }
0xba: {  	[sflag:s6] =	ssyncadd.s32 @!p0 $0xFFFFC000  }
0xbb: {  	[spmem:s2] =	stream.indirect.scatter.add.f32 @!p0 [tilespmem:s18], [sflag:$0xD], $0x80, s17, s3, $0xb8;
	[tilespmem:$0x1FF00] =	vst v63  }
0xbc: {  	_ =	swait.ge @!p0 [sflag:s16], $0x4000  }
0xbd: {  	[sflag:s16] =	ssyncset.done @!p0 $0x0  }
0xbe: {  	s19 =	stileid.u32;
	[sflag:s16] =	ssyncadd.s32 @!p0 $0xFFFFC000  }
0xbf: {  	s3 =	sshll.u32 s19, $0x6;
	[bflag:$0x0] =	sbarrier.arrive $0xFFFF  }
0xc0: {  	s26 =	sshrl.u32 s5, $0x3;
	s3 =	sor.u32 $0x1C0D, s3;
	s29 =	rddreg [dreg:$0xd]  }
0xc1: {  	[hbm:s29], [sflag:s3] =	dma.local [spmem:s26], $0x2780  }
0xc2: {  	_ =	swait.ge [sflag:s15], $0x2780  }
0xc3: {  	s4 =	sadd.s32 $0x1, s4;
	s31 =	rddreg [dreg:$0xe]  }
0xc4: {  	p1 =	sne.s32 s4, s31  }
.Ltmp2:
0xc5: {  	_ = 	snop;
	(pc) =	sbr.rel @p1 .LBB2_1-.Ltmp2, $3  }
0xc6: {  	_ =	sdelay $0x1  }
0xc7: {  	[sflag:s15] =	ssyncset.done $0x0  }
0xc8: {  	[sflag:s15] =	ssyncadd.s32 $0xFFFFD880  }
0xc9: {  	_ =	sfence.sel $0x180000  }
0xca: {  	[bflag:$0x0] =	sbarrier.arrive $0xFFFF  }
0xcb: {  	_ =	strace $0x9000004A  }
0xcc: {  	s0 =	stileid.u32;
	[bflag:$0x2] =	sbarrier.arrive $0xFFFF  }
0xcd: {  	p0 =	sne.s32 s0, $0x0;
	s0 =	rddreg [dreg:$0x3]  }
0xce: {  	s0 =	sadd.s32 @!p0 $0x100000, s0  }
0xcf: {  	[sflag:s0] =	ssyncadd.tile.s32 @!p0 $0x1;
	_ =	shalt  }
.Lfunc_end2:
_tile_overlayer_lowered:
.L_overlay_start_2:
0xd0: {  	(tag) =	ssettag $0x2  }
0xd1: {  	s0 =	rddreg [dreg:$0x0];
	s2 =	stileid.u32  }
0xd2: {  	s1 =	rddreg [dreg:$0x1];
	p0 =	sne.s32 s2, $0x0  }
0xd3: {  	s3 =	rddreg [dreg:$0x2];
	[bflag:$0x3] =	sbarrier.arrive $0xFFFF;
	s2 =	simm.s32 @!p0 $0x1C0D  }
0xd4: {  	[timem:s3], [sflag:s2] =	dma.local @!p0 [hbm:s0], s1  }
0xd5: {  	s0 =	simm.s32 @!p0 $0xD  }
0xd6: {  	_ =	swait.ge @!p0 [sflag:s0], s1  }
0xd7: {  	s1 =	ssub.s32 @!p0 $0x0, s1;
	[sflag:s0] =	ssyncset.done @!p0 $0x0  }
0xd8: {  	[sflag:s0] =	ssyncadd.s32 @!p0 s1  }
0xd9: {  	[bflag:$0x3] =	sbarrier.arrive $0xFFFF  }
0xda: {  	_ =	shalt  }

</sc_bundles>
